<compile_context>
chip_gen: v7x
topology: tpu7x:2x2x1
jax: 0.10.2.dev20260603
libtpu: 0.0.44.dev20260713+nightly
codegen_flags: <defaults>
</compile_context>

<pallas_src>
import functools

import jax
from jax import lax
from jax.experimental import pallas as pl
from jax.experimental.pallas import tpu as pltpu
from jax.experimental.pallas import tpu_sc as plsc


def _make_sc_kernel(N, S, E, dtype):
    info = plsc.get_sparse_core_info()
    num_workers = info.num_cores * info.num_subcores
    n_chunks = 8
    chunk = S // n_chunks
    rows_per_w = N // (num_workers // n_chunks)
    mesh = plsc.VectorSubcoreMesh(core_axis_name="c", subcore_axis_name="s")

    @functools.partial(
        pl.kernel,
        mesh=mesh,
        out_type=jax.ShapeDtypeStruct((N, S, E), dtype),
        scratch_types=[
            pltpu.VMEM((chunk, E), dtype),
            pltpu.SemaphoreType.DMA,
        ],
    )
    def sc_broadcast(table_hbm, out_hbm, buf, sem):
        wid = lax.axis_index("s") * info.num_cores + lax.axis_index("c")
        c = wid % n_chunks
        row0 = (wid // n_chunks) * rows_per_w
        pltpu.sync_copy(table_hbm.at[pl.ds(c * chunk, chunk)], buf)
        copies = [
            pltpu.make_async_copy(
                buf, out_hbm.at[row0 + i, pl.ds(c * chunk, chunk)], sem
            )
            for i in range(rows_per_w)
        ]
        for cp in copies:
            cp.start()
        for cp in copies:
            cp.wait()

    return sc_broadcast


def kernel(x, table):
    N, S = x.shape
    V, E = table.shape
    return _make_sc_kernel(N, S, E, table.dtype)(table)

# --- scband reference (transcript-rebuilt; emitter-appended) ---
"""Pipeline reference for scband-positional-embedding-60679297958124 (READ-ONLY COPY).

The authoritative reference and input builder live on the scoring server;
editing this copy changes nothing except your own understanding.
"""

import jax, jax.numpy as jnp
import numpy as np

BPTT = 2048
EMBED = 128
BATCH = 128
SEQ = 2048

def setup_inputs(seed: int = 0) -> dict:
    key = jax.random.key(seed)
    k1, k2 = jax.random.split(key)
    x = jax.random.randint(k1, (BATCH, SEQ), 0, BPTT, dtype=jnp.int64)
    table = jax.random.normal(k2, (BPTT, EMBED), dtype=jnp.float32) * 0.02
    return {"x": x, "table": table}

def reference(x, table):
    N, S = x.shape
    position = jnp.broadcast_to(jnp.arange(S, dtype=jnp.int32)[None, :], (N, S))
    out = jnp.take(table, position, axis=0)
    return out

if __name__ == "__main__":
    import jax
    _d = setup_inputs()
    print(jax.jit(kernel)(*tuple(_d.values())))

</pallas_src>

<mosaic_0001>
#map = affine_map<(d0, d1) -> (0, 0)>
#map1 = affine_map<(d0, d1) -> (0, 0, 0)>
module attributes {stable_mosaic.version = 14 : i64} {
  func.func @sc_broadcast(%arg0: i32, %arg1: i32, %arg2: memref<2048x128xf32, #tpu.memory_space<hbm>>, %arg3: memref<128x2048x128xf32, #tpu.memory_space<hbm>>, %arg4: memref<256x128xf32, #tpu.memory_space<vmem>>, %arg5: memref<!tpu.dma_semaphore, #tpu.memory_space<semaphore_mem>>) attributes {dimension_semantics = [#tpu.dimension_semantics<core_parallel>, #tpu.dimension_semantics<subcore_parallel>], iteration_bounds = array<i64: 2, 16>, scalar_prefetch = 0 : i64, scratch_operands = 2 : i64, tpu.core_type = #tpu.core_type<sc_vector_subcore>, window_params = [{transform_indices = #map}, {transform_indices = #map1}]} {
    %mul3A = arith.constant 2 : i32
    %mul3A_0 = arith.muli %arg1, %mul3A : i32
    %add3A = arith.addi %mul3A_0, %arg0 : i32
    %jit3A = arith.constant 8 : i32
    %eq3A = arith.constant 0 : i32
    %eq3A_1 = arith.cmpi eq, %jit3A, %eq3A : i32
    %jit3A_2 = arith.constant 1 : i32
    %select_n3A = arith.select %eq3A_1, %jit3A_2, %jit3A : i32
    %rem3A = arith.remsi %add3A, %select_n3A : i32
    %ne3A = arith.constant 0 : i32
    %ne3A_3 = arith.cmpi ne, %rem3A, %ne3A : i32
    %lt3A = arith.constant 0 : i32
    %lt3A_4 = arith.cmpi slt, %rem3A, %lt3A : i32
    %lt3A_5 = arith.constant 0 : i32
    %lt3A_6 = arith.cmpi slt, %select_n3A, %lt3A_5 : i32
    %ne3A_7 = arith.xori %lt3A_4, %lt3A_6 : i1
    %and3A = arith.andi %ne3A_7, %ne3A_3 : i1
    %add3A_8 = arith.addi %rem3A, %select_n3A : i32
    %select_n3A_9 = arith.select %and3A, %add3A_8, %rem3A : i32
    %jit3A_10 = arith.constant 8 : i32
    %div3A = arith.divsi %add3A, %jit3A_10 : i32
    %sign3A = arith.constant 0 : i32
    %sign3A_11 = arith.cmpi sgt, %add3A, %sign3A : i32
    %sign3A_12 = arith.extui %sign3A_11 : i1 to i32
    %sign3A_13 = arith.constant 0 : i32
    %sign3A_14 = arith.cmpi slt, %add3A, %sign3A_13 : i32
    %sign3A_15 = arith.extui %sign3A_14 : i1 to i32
    %sign3A_16 = arith.subi %sign3A_12, %sign3A_15 : i32
    %sign3A_17 = arith.constant 0 : i32
    %sign3A_18 = arith.cmpi sgt, %jit3A_10, %sign3A_17 : i32
    %sign3A_19 = arith.extui %sign3A_18 : i1 to i32
    %sign3A_20 = arith.constant 0 : i32
    %sign3A_21 = arith.cmpi slt, %jit3A_10, %sign3A_20 : i32
    %sign3A_22 = arith.extui %sign3A_21 : i1 to i32
    %sign3A_23 = arith.subi %sign3A_19, %sign3A_22 : i32
    %ne3A_24 = arith.cmpi ne, %sign3A_16, %sign3A_23 : i32
    %rem3A_25 = arith.remsi %add3A, %jit3A_10 : i32
    %ne3A_26 = arith.constant 0 : i32
    %ne3A_27 = arith.cmpi ne, %rem3A_25, %ne3A_26 : i32
    %and3A_28 = arith.andi %ne3A_24, %ne3A_27 : i1
    %sub3A = arith.constant 1 : i32
    %sub3A_29 = arith.subi %div3A, %sub3A : i32
    %select_n3A_30 = arith.select %and3A_28, %sub3A_29, %div3A : i32
    %mul3A_31 = arith.constant 32 : i32
    %mul3A_32 = arith.muli %select_n3A_30, %mul3A_31 : i32
    %mul3A_33 = arith.constant 256 : i32
    %mul3A_34 = arith.muli %select_n3A_9, %mul3A_33 : i32
    "tpu.region"() ({
      %run_scoped3A = tpu.sem_alloc : memref<!tpu.dma_semaphore, #tpu.memory_space<semaphore_mem>>
      %dma_start3A_545 = arith.constant 0 : i32
      %dma_start3A_546 = tpu.memref_slice %arg2[%mul3A_34, %dma_start3A_545] : memref<2048x128xf32, #tpu.memory_space<hbm>> -> memref<256x128xf32, #tpu.memory_space<hbm>>
      %dma_start3A_547 = arith.constant 0 : i32
      %dma_start3A_548 = tpu.memref_slice %arg2[%mul3A_34, %dma_start3A_547] : memref<2048x128xf32, #tpu.memory_space<hbm>> -> memref<256x128xf32, #tpu.memory_space<hbm>>
      tpu.enqueue_dma source(%dma_start3A_548 : memref<256x128xf32, #tpu.memory_space<hbm>>) target(%arg4 : memref<256x128xf32, #tpu.memory_space<vmem>>) target_semaphore(%run_scoped3A : memref<!tpu.dma_semaphore, #tpu.memory_space<semaphore_mem>>)
      %dma_wait3A_549 = arith.constant 0 : i32
      %dma_wait3A_550 = tpu.memref_slice %arg2[%mul3A_34, %dma_wait3A_549] : memref<2048x128xf32, #tpu.memory_space<hbm>> -> memref<256x128xf32, #tpu.memory_space<hbm>>
      %dma_wait3A_551 = arith.constant 0 : i32
      %dma_wait3A_552 = tpu.memref_slice %arg2[%mul3A_34, %dma_wait3A_551] : memref<2048x128xf32, #tpu.memory_space<hbm>> -> memref<256x128xf32, #tpu.memory_space<hbm>>
      tpu.wait_dma2 semaphore(%run_scoped3A : memref<!tpu.dma_semaphore, #tpu.memory_space<semaphore_mem>>) src(%dma_wait3A_552 : memref<256x128xf32, #tpu.memory_space<hbm>>) dst(%arg4 : memref<256x128xf32, #tpu.memory_space<vmem>>)
      tpu.yield
    }) : () -> ()
    %add3A_35 = arith.constant 0 : i32
    %add3A_36 = arith.addi %mul3A_32, %add3A_35 : i32
    %mul3A_37 = arith.constant 256 : i32
    %mul3A_38 = arith.muli %select_n3A_9, %mul3A_37 : i32
    %add3A_39 = arith.constant 1 : i32
    %add3A_40 = arith.addi %mul3A_32, %add3A_39 : i32
    %mul3A_41 = arith.constant 256 : i32
    %mul3A_42 = arith.muli %select_n3A_9, %mul3A_41 : i32
    %add3A_43 = arith.constant 2 : i32
    %add3A_44 = arith.addi %mul3A_32, %add3A_43 : i32
    %mul3A_45 = arith.constant 256 : i32
    %mul3A_46 = arith.muli %select_n3A_9, %mul3A_45 : i32
    %add3A_47 = arith.constant 3 : i32
    %add3A_48 = arith.addi %mul3A_32, %add3A_47 : i32
    %mul3A_49 = arith.constant 256 : i32
    %mul3A_50 = arith.muli %select_n3A_9, %mul3A_49 : i32
    %add3A_51 = arith.constant 4 : i32
    %add3A_52 = arith.addi %mul3A_32, %add3A_51 : i32
    %mul3A_53 = arith.constant 256 : i32
    %mul3A_54 = arith.muli %select_n3A_9, %mul3A_53 : i32
    %add3A_55 = arith.constant 5 : i32
    %add3A_56 = arith.addi %mul3A_32, %add3A_55 : i32
    %mul3A_57 = arith.constant 256 : i32
    %mul3A_58 = arith.muli %select_n3A_9, %mul3A_57 : i32
    %add3A_59 = arith.constant 6 : i32
    %add3A_60 = arith.addi %mul3A_32, %add3A_59 : i32
    %mul3A_61 = arith.constant 256 : i32
    %mul3A_62 = arith.muli %select_n3A_9, %mul3A_61 : i32
    %add3A_63 = arith.constant 7 : i32
    %add3A_64 = arith.addi %mul3A_32, %add3A_63 : i32
    %mul3A_65 = arith.constant 256 : i32
    %mul3A_66 = arith.muli %select_n3A_9, %mul3A_65 : i32
    %add3A_67 = arith.constant 8 : i32
    %add3A_68 = arith.addi %mul3A_32, %add3A_67 : i32
    %mul3A_69 = arith.constant 256 : i32
    %mul3A_70 = arith.muli %select_n3A_9, %mul3A_69 : i32
    %add3A_71 = arith.constant 9 : i32
    %add3A_72 = arith.addi %mul3A_32, %add3A_71 : i32
    %mul3A_73 = arith.constant 256 : i32
    %mul3A_74 = arith.muli %select_n3A_9, %mul3A_73 : i32
    %add3A_75 = arith.constant 10 : i32
    %add3A_76 = arith.addi %mul3A_32, %add3A_75 : i32
    %mul3A_77 = arith.constant 256 : i32
    %mul3A_78 = arith.muli %select_n3A_9, %mul3A_77 : i32
    %add3A_79 = arith.constant 11 : i32
    %add3A_80 = arith.addi %mul3A_32, %add3A_79 : i32
    %mul3A_81 = arith.constant 256 : i32
    %mul3A_82 = arith.muli %select_n3A_9, %mul3A_81 : i32
    %add3A_83 = arith.constant 12 : i32
    %add3A_84 = arith.addi %mul3A_32, %add3A_83 : i32
    %mul3A_85 = arith.constant 256 : i32
    %mul3A_86 = arith.muli %select_n3A_9, %mul3A_85 : i32
    %add3A_87 = arith.constant 13 : i32
    %add3A_88 = arith.addi %mul3A_32, %add3A_87 : i32
    %mul3A_89 = arith.constant 256 : i32
    %mul3A_90 = arith.muli %select_n3A_9, %mul3A_89 : i32
    %add3A_91 = arith.constant 14 : i32
    %add3A_92 = arith.addi %mul3A_32, %add3A_91 : i32
    %mul3A_93 = arith.constant 256 : i32
    %mul3A_94 = arith.muli %select_n3A_9, %mul3A_93 : i32
    %add3A_95 = arith.constant 15 : i32
    %add3A_96 = arith.addi %mul3A_32, %add3A_95 : i32
    %mul3A_97 = arith.constant 256 : i32
    %mul3A_98 = arith.muli %select_n3A_9, %mul3A_97 : i32
    %add3A_99 = arith.constant 16 : i32
    %add3A_100 = arith.addi %mul3A_32, %add3A_99 : i32
    %mul3A_101 = arith.constant 256 : i32
    %mul3A_102 = arith.muli %select_n3A_9, %mul3A_101 : i32
    %add3A_103 = arith.constant 17 : i32
    %add3A_104 = arith.addi %mul3A_32, %add3A_103 : i32
    %mul3A_105 = arith.constant 256 : i32
    %mul3A_106 = arith.muli %select_n3A_9, %mul3A_105 : i32
    %add3A_107 = arith.constant 18 : i32
    %add3A_108 = arith.addi %mul3A_32, %add3A_107 : i32
    %mul3A_109 = arith.constant 256 : i32
    %mul3A_110 = arith.muli %select_n3A_9, %mul3A_109 : i32
    %add3A_111 = arith.constant 19 : i32
    %add3A_112 = arith.addi %mul3A_32, %add3A_111 : i32
    %mul3A_113 = arith.constant 256 : i32
    %mul3A_114 = arith.muli %select_n3A_9, %mul3A_113 : i32
    %add3A_115 = arith.constant 20 : i32
    %add3A_116 = arith.addi %mul3A_32, %add3A_115 : i32
    %mul3A_117 = arith.constant 256 : i32
    %mul3A_118 = arith.muli %select_n3A_9, %mul3A_117 : i32
    %add3A_119 = arith.constant 21 : i32
    %add3A_120 = arith.addi %mul3A_32, %add3A_119 : i32
    %mul3A_121 = arith.constant 256 : i32
    %mul3A_122 = arith.muli %select_n3A_9, %mul3A_121 : i32
    %add3A_123 = arith.constant 22 : i32
    %add3A_124 = arith.addi %mul3A_32, %add3A_123 : i32
    %mul3A_125 = arith.constant 256 : i32
    %mul3A_126 = arith.muli %select_n3A_9, %mul3A_125 : i32
    %add3A_127 = arith.constant 23 : i32
    %add3A_128 = arith.addi %mul3A_32, %add3A_127 : i32
    %mul3A_129 = arith.constant 256 : i32
    %mul3A_130 = arith.muli %select_n3A_9, %mul3A_129 : i32
    %add3A_131 = arith.constant 24 : i32
    %add3A_132 = arith.addi %mul3A_32, %add3A_131 : i32
    %mul3A_133 = arith.constant 256 : i32
    %mul3A_134 = arith.muli %select_n3A_9, %mul3A_133 : i32
    %add3A_135 = arith.constant 25 : i32
    %add3A_136 = arith.addi %mul3A_32, %add3A_135 : i32
    %mul3A_137 = arith.constant 256 : i32
    %mul3A_138 = arith.muli %select_n3A_9, %mul3A_137 : i32
    %add3A_139 = arith.constant 26 : i32
    %add3A_140 = arith.addi %mul3A_32, %add3A_139 : i32
    %mul3A_141 = arith.constant 256 : i32
    %mul3A_142 = arith.muli %select_n3A_9, %mul3A_141 : i32
    %add3A_143 = arith.constant 27 : i32
    %add3A_144 = arith.addi %mul3A_32, %add3A_143 : i32
    %mul3A_145 = arith.constant 256 : i32
    %mul3A_146 = arith.muli %select_n3A_9, %mul3A_145 : i32
    %add3A_147 = arith.constant 28 : i32
    %add3A_148 = arith.addi %mul3A_32, %add3A_147 : i32
    %mul3A_149 = arith.constant 256 : i32
    %mul3A_150 = arith.muli %select_n3A_9, %mul3A_149 : i32
    %add3A_151 = arith.constant 29 : i32
    %add3A_152 = arith.addi %mul3A_32, %add3A_151 : i32
    %mul3A_153 = arith.constant 256 : i32
    %mul3A_154 = arith.muli %select_n3A_9, %mul3A_153 : i32
    %add3A_155 = arith.constant 30 : i32
    %add3A_156 = arith.addi %mul3A_32, %add3A_155 : i32
    %mul3A_157 = arith.constant 256 : i32
    %mul3A_158 = arith.muli %select_n3A_9, %mul3A_157 : i32
    %add3A_159 = arith.constant 31 : i32
    %add3A_160 = arith.addi %mul3A_32, %add3A_159 : i32
    %mul3A_161 = arith.constant 256 : i32
    %mul3A_162 = arith.muli %select_n3A_9, %mul3A_161 : i32
    %dma_start3A = arith.constant 0 : i32
    %dma_start3A_163 = tpu.memref_slice %arg3[%add3A_36, %mul3A_38, %dma_start3A] : memref<128x2048x128xf32, #tpu.memory_space<hbm>> -> memref<1x256x128xf32, #tpu.memory_space<hbm>>
    %dma_start3A_164 = tpu.memref_squeeze %dma_start3A_163 : memref<1x256x128xf32, #tpu.memory_space<hbm>> -> memref<256x128xf32, #tpu.memory_space<hbm>>
    %dma_start3A_165 = arith.constant 0 : i32
    %dma_start3A_166 = tpu.memref_slice %arg3[%add3A_36, %mul3A_38, %dma_start3A_165] : memref<128x2048x128xf32, #tpu.memory_space<hbm>> -> memref<1x256x128xf32, #tpu.memory_space<hbm>>
    %dma_start3A_167 = tpu.memref_squeeze %dma_start3A_166 : memref<1x256x128xf32, #tpu.memory_space<hbm>> -> memref<256x128xf32, #tpu.memory_space<hbm>>
    tpu.enqueue_dma source(%arg4 : memref<256x128xf32, #tpu.memory_space<vmem>>) target(%dma_start3A_167 : memref<256x128xf32, #tpu.memory_space<hbm>>) target_semaphore(%arg5 : memref<!tpu.dma_semaphore, #tpu.memory_space<semaphore_mem>>)
    %dma_start3A_168 = arith.constant 0 : i32
    %dma_start3A_169 = tpu.memref_slice %arg3[%add3A_40, %mul3A_42, %dma_start3A_168] : memref<128x2048x128xf32, #tpu.memory_space<hbm>> -> memref<1x256x128xf32, #tpu.memory_space<hbm>>
    %dma_start3A_170 = tpu.memref_squeeze %dma_start3A_169 : memref<1x256x128xf32, #tpu.memory_space<hbm>> -> memref<256x128xf32, #tpu.memory_space<hbm>>
    %dma_start3A_171 = arith.constant 0 : i32
    %dma_start3A_172 = tpu.memref_slice %arg3[%add3A_40, %mul3A_42, %dma_start3A_171] : memref<128x2048x128xf32, #tpu.memory_space<hbm>> -> memref<1x256x128xf32, #tpu.memory_space<hbm>>
    %dma_start3A_173 = tpu.memref_squeeze %dma_start3A_172 : memref<1x256x128xf32, #tpu.memory_space<hbm>> -> memref<256x128xf32, #tpu.memory_space<hbm>>
    tpu.enqueue_dma source(%arg4 : memref<256x128xf32, #tpu.memory_space<vmem>>) target(%dma_start3A_173 : memref<256x128xf32, #tpu.memory_space<hbm>>) target_semaphore(%arg5 : memref<!tpu.dma_semaphore, #tpu.memory_space<semaphore_mem>>)
    %dma_start3A_174 = arith.constant 0 : i32
    %dma_start3A_175 = tpu.memref_slice %arg3[%add3A_44, %mul3A_46, %dma_start3A_174] : memref<128x2048x128xf32, #tpu.memory_space<hbm>> -> memref<1x256x128xf32, #tpu.memory_space<hbm>>
    %dma_start3A_176 = tpu.memref_squeeze %dma_start3A_175 : memref<1x256x128xf32, #tpu.memory_space<hbm>> -> memref<256x128xf32, #tpu.memory_space<hbm>>
    %dma_start3A_177 = arith.constant 0 : i32
    %dma_start3A_178 = tpu.memref_slice %arg3[%add3A_44, %mul3A_46, %dma_start3A_177] : memref<128x2048x128xf32, #tpu.memory_space<hbm>> -> memref<1x256x128xf32, #tpu.memory_space<hbm>>
    %dma_start3A_179 = tpu.memref_squeeze %dma_start3A_178 : memref<1x256x128xf32, #tpu.memory_space<hbm>> -> memref<256x128xf32, #tpu.memory_space<hbm>>
    tpu.enqueue_dma source(%arg4 : memref<256x128xf32, #tpu.memory_space<vmem>>) target(%dma_start3A_179 : memref<256x128xf32, #tpu.memory_space<hbm>>) target_semaphore(%arg5 : memref<!tpu.dma_semaphore, #tpu.memory_space<semaphore_mem>>)
    %dma_start3A_180 = arith.constant 0 : i32
    %dma_start3A_181 = tpu.memref_slice %arg3[%add3A_48, %mul3A_50, %dma_start3A_180] : memref<128x2048x128xf32, #tpu.memory_space<hbm>> -> memref<1x256x128xf32, #tpu.memory_space<hbm>>
    %dma_start3A_182 = tpu.memref_squeeze %dma_start3A_181 : memref<1x256x128xf32, #tpu.memory_space<hbm>> -> memref<256x128xf32, #tpu.memory_space<hbm>>
    %dma_start3A_183 = arith.constant 0 : i32
    %dma_start3A_184 = tpu.memref_slice %arg3[%add3A_48, %mul3A_50, %dma_start3A_183] : memref<128x2048x128xf32, #tpu.memory_space<hbm>> -> memref<1x256x128xf32, #tpu.memory_space<hbm>>
    %dma_start3A_185 = tpu.memref_squeeze %dma_start3A_184 : memref<1x256x128xf32, #tpu.memory_space<hbm>> -> memref<256x128xf32, #tpu.memory_space<hbm>>
    tpu.enqueue_dma source(%arg4 : memref<256x128xf32, #tpu.memory_space<vmem>>) target(%dma_start3A_185 : memref<256x128xf32, #tpu.memory_space<hbm>>) target_semaphore(%arg5 : memref<!tpu.dma_semaphore, #tpu.memory_space<semaphore_mem>>)
    %dma_start3A_186 = arith.constant 0 : i32
    %dma_start3A_187 = tpu.memref_slice %arg3[%add3A_52, %mul3A_54, %dma_start3A_186] : memref<128x2048x128xf32, #tpu.memory_space<hbm>> -> memref<1x256x128xf32, #tpu.memory_space<hbm>>
    %dma_start3A_188 = tpu.memref_squeeze %dma_start3A_187 : memref<1x256x128xf32, #tpu.memory_space<hbm>> -> memref<256x128xf32, #tpu.memory_space<hbm>>
    %dma_start3A_189 = arith.constant 0 : i32
    %dma_start3A_190 = tpu.memref_slice %arg3[%add3A_52, %mul3A_54, %dma_start3A_189] : memref<128x2048x128xf32, #tpu.memory_space<hbm>> -> memref<1x256x128xf32, #tpu.memory_space<hbm>>
    %dma_start3A_191 = tpu.memref_squeeze %dma_start3A_190 : memref<1x256x128xf32, #tpu.memory_space<hbm>> -> memref<256x128xf32, #tpu.memory_space<hbm>>
    tpu.enqueue_dma source(%arg4 : memref<256x128xf32, #tpu.memory_space<vmem>>) target(%dma_start3A_191 : memref<256x128xf32, #tpu.memory_space<hbm>>) target_semaphore(%arg5 : memref<!tpu.dma_semaphore, #tpu.memory_space<semaphore_mem>>)
    %dma_start3A_192 = arith.constant 0 : i32
    %dma_start3A_193 = tpu.memref_slice %arg3[%add3A_56, %mul3A_58, %dma_start3A_192] : memref<128x2048x128xf32, #tpu.memory_space<hbm>> -> memref<1x256x128xf32, #tpu.memory_space<hbm>>
    %dma_start3A_194 = tpu.memref_squeeze %dma_start3A_193 : memref<1x256x128xf32, #tpu.memory_space<hbm>> -> memref<256x128xf32, #tpu.memory_space<hbm>>
    %dma_start3A_195 = arith.constant 0 : i32
    %dma_start3A_196 = tpu.memref_slice %arg3[%add3A_56, %mul3A_58, %dma_start3A_195] : memref<128x2048x128xf32, #tpu.memory_space<hbm>> -> memref<1x256x128xf32, #tpu.memory_space<hbm>>
    %dma_start3A_197 = tpu.memref_squeeze %dma_start3A_196 : memref<1x256x128xf32, #tpu.memory_space<hbm>> -> memref<256x128xf32, #tpu.memory_space<hbm>>
    tpu.enqueue_dma source(%arg4 : memref<256x128xf32, #tpu.memory_space<vmem>>) target(%dma_start3A_197 : memref<256x128xf32, #tpu.memory_space<hbm>>) target_semaphore(%arg5 : memref<!tpu.dma_semaphore, #tpu.memory_space<semaphore_mem>>)
    %dma_start3A_198 = arith.constant 0 : i32
    %dma_start3A_199 = tpu.memref_slice %arg3[%add3A_60, %mul3A_62, %dma_start3A_198] : memref<128x2048x128xf32, #tpu.memory_space<hbm>> -> memref<1x256x128xf32, #tpu.memory_space<hbm>>
    %dma_start3A_200 = tpu.memref_squeeze %dma_start3A_199 : memref<1x256x128xf32, #tpu.memory_space<hbm>> -> memref<256x128xf32, #tpu.memory_space<hbm>>
    %dma_start3A_201 = arith.constant 0 : i32
    %dma_start3A_202 = tpu.memref_slice %arg3[%add3A_60, %mul3A_62, %dma_start3A_201] : memref<128x2048x128xf32, #tpu.memory_space<hbm>> -> memref<1x256x128xf32, #tpu.memory_space<hbm>>
    %dma_start3A_203 = tpu.memref_squeeze %dma_start3A_202 : memref<1x256x128xf32, #tpu.memory_space<hbm>> -> memref<256x128xf32, #tpu.memory_space<hbm>>
    tpu.enqueue_dma source(%arg4 : memref<256x128xf32, #tpu.memory_space<vmem>>) target(%dma_start3A_203 : memref<256x128xf32, #tpu.memory_space<hbm>>) target_semaphore(%arg5 : memref<!tpu.dma_semaphore, #tpu.memory_space<semaphore_mem>>)
    %dma_start3A_204 = arith.constant 0 : i32
    %dma_start3A_205 = tpu.memref_slice %arg3[%add3A_64, %mul3A_66, %dma_start3A_204] : memref<128x2048x128xf32, #tpu.memory_space<hbm>> -> memref<1x256x128xf32, #tpu.memory_space<hbm>>
    %dma_start3A_206 = tpu.memref_squeeze %dma_start3A_205 : memref<1x256x128xf32, #tpu.memory_space<hbm>> -> memref<256x128xf32, #tpu.memory_space<hbm>>
    %dma_start3A_207 = arith.constant 0 : i32
    %dma_start3A_208 = tpu.memref_slice %arg3[%add3A_64, %mul3A_66, %dma_start3A_207] : memref<128x2048x128xf32, #tpu.memory_space<hbm>> -> memref<1x256x128xf32, #tpu.memory_space<hbm>>
    %dma_start3A_209 = tpu.memref_squeeze %dma_start3A_208 : memref<1x256x128xf32, #tpu.memory_space<hbm>> -> memref<256x128xf32, #tpu.memory_space<hbm>>
    tpu.enqueue_dma source(%arg4 : memref<256x128xf32, #tpu.memory_space<vmem>>) target(%dma_start3A_209 : memref<256x128xf32, #tpu.memory_space<hbm>>) target_semaphore(%arg5 : memref<!tpu.dma_semaphore, #tpu.memory_space<semaphore_mem>>)
    %dma_start3A_210 = arith.constant 0 : i32
    %dma_start3A_211 = tpu.memref_slice %arg3[%add3A_68, %mul3A_70, %dma_start3A_210] : memref<128x2048x128xf32, #tpu.memory_space<hbm>> -> memref<1x256x128xf32, #tpu.memory_space<hbm>>
    %dma_start3A_212 = tpu.memref_squeeze %dma_start3A_211 : memref<1x256x128xf32, #tpu.memory_space<hbm>> -> memref<256x128xf32, #tpu.memory_space<hbm>>
    %dma_start3A_213 = arith.constant 0 : i32
    %dma_start3A_214 = tpu.memref_slice %arg3[%add3A_68, %mul3A_70, %dma_start3A_213] : memref<128x2048x128xf32, #tpu.memory_space<hbm>> -> memref<1x256x128xf32, #tpu.memory_space<hbm>>
    %dma_start3A_215 = tpu.memref_squeeze %dma_start3A_214 : memref<1x256x128xf32, #tpu.memory_space<hbm>> -> memref<256x128xf32, #tpu.memory_space<hbm>>
    tpu.enqueue_dma source(%arg4 : memref<256x128xf32, #tpu.memory_space<vmem>>) target(%dma_start3A_215 : memref<256x128xf32, #tpu.memory_space<hbm>>) target_semaphore(%arg5 : memref<!tpu.dma_semaphore, #tpu.memory_space<semaphore_mem>>)
    %dma_start3A_216 = arith.constant 0 : i32
    %dma_start3A_217 = tpu.memref_slice %arg3[%add3A_72, %mul3A_74, %dma_start3A_216] : memref<128x2048x128xf32, #tpu.memory_space<hbm>> -> memref<1x256x128xf32, #tpu.memory_space<hbm>>
    %dma_start3A_218 = tpu.memref_squeeze %dma_start3A_217 : memref<1x256x128xf32, #tpu.memory_space<hbm>> -> memref<256x128xf32, #tpu.memory_space<hbm>>
    %dma_start3A_219 = arith.constant 0 : i32
    %dma_start3A_220 = tpu.memref_slice %arg3[%add3A_72, %mul3A_74, %dma_start3A_219] : memref<128x2048x128xf32, #tpu.memory_space<hbm>> -> memref<1x256x128xf32, #tpu.memory_space<hbm>>
    %dma_start3A_221 = tpu.memref_squeeze %dma_start3A_220 : memref<1x256x128xf32, #tpu.memory_space<hbm>> -> memref<256x128xf32, #tpu.memory_space<hbm>>
    tpu.enqueue_dma source(%arg4 : memref<256x128xf32, #tpu.memory_space<vmem>>) target(%dma_start3A_221 : memref<256x128xf32, #tpu.memory_space<hbm>>) target_semaphore(%arg5 : memref<!tpu.dma_semaphore, #tpu.memory_space<semaphore_mem>>)
    %dma_start3A_222 = arith.constant 0 : i32
    %dma_start3A_223 = tpu.memref_slice %arg3[%add3A_76, %mul3A_78, %dma_start3A_222] : memref<128x2048x128xf32, #tpu.memory_space<hbm>> -> memref<1x256x128xf32, #tpu.memory_space<hbm>>
    %dma_start3A_224 = tpu.memref_squeeze %dma_start3A_223 : memref<1x256x128xf32, #tpu.memory_space<hbm>> -> memref<256x128xf32, #tpu.memory_space<hbm>>
    %dma_start3A_225 = arith.constant 0 : i32
    %dma_start3A_226 = tpu.memref_slice %arg3[%add3A_76, %mul3A_78, %dma_start3A_225] : memref<128x2048x128xf32, #tpu.memory_space<hbm>> -> memref<1x256x128xf32, #tpu.memory_space<hbm>>
    %dma_start3A_227 = tpu.memref_squeeze %dma_start3A_226 : memref<1x256x128xf32, #tpu.memory_space<hbm>> -> memref<256x128xf32, #tpu.memory_space<hbm>>
    tpu.enqueue_dma source(%arg4 : memref<256x128xf32, #tpu.memory_space<vmem>>) target(%dma_start3A_227 : memref<256x128xf32, #tpu.memory_space<hbm>>) target_semaphore(%arg5 : memref<!tpu.dma_semaphore, #tpu.memory_space<semaphore_mem>>)
    %dma_start3A_228 = arith.constant 0 : i32
    %dma_start3A_229 = tpu.memref_slice %arg3[%add3A_80, %mul3A_82, %dma_start3A_228] : memref<128x2048x128xf32, #tpu.memory_space<hbm>> -> memref<1x256x128xf32, #tpu.memory_space<hbm>>
    %dma_start3A_230 = tpu.memref_squeeze %dma_start3A_229 : memref<1x256x128xf32, #tpu.memory_space<hbm>> -> memref<256x128xf32, #tpu.memory_space<hbm>>
    %dma_start3A_231 = arith.constant 0 : i32
    %dma_start3A_232 = tpu.memref_slice %arg3[%add3A_80, %mul3A_82, %dma_start3A_231] : memref<128x2048x128xf32, #tpu.memory_space<hbm>> -> memref<1x256x128xf32, #tpu.memory_space<hbm>>
    %dma_start3A_233 = tpu.memref_squeeze %dma_start3A_232 : memref<1x256x128xf32, #tpu.memory_space<hbm>> -> memref<256x128xf32, #tpu.memory_space<hbm>>
    tpu.enqueue_dma source(%arg4 : memref<256x128xf32, #tpu.memory_space<vmem>>) target(%dma_start3A_233 : memref<256x128xf32, #tpu.memory_space<hbm>>) target_semaphore(%arg5 : memref<!tpu.dma_semaphore, #tpu.memory_space<semaphore_mem>>)
    %dma_start3A_234 = arith.constant 0 : i32
    %dma_start3A_235 = tpu.memref_slice %arg3[%add3A_84, %mul3A_86, %dma_start3A_234] : memref<128x2048x128xf32, #tpu.memory_space<hbm>> -> memref<1x256x128xf32, #tpu.memory_space<hbm>>
    %dma_start3A_236 = tpu.memref_squeeze %dma_start3A_235 : memref<1x256x128xf32, #tpu.memory_space<hbm>> -> memref<256x128xf32, #tpu.memory_space<hbm>>
    %dma_start3A_237 = arith.constant 0 : i32
    %dma_start3A_238 = tpu.memref_slice %arg3[%add3A_84, %mul3A_86, %dma_start3A_237] : memref<128x2048x128xf32, #tpu.memory_space<hbm>> -> memref<1x256x128xf32, #tpu.memory_space<hbm>>
    %dma_start3A_239 = tpu.memref_squeeze %dma_start3A_238 : memref<1x256x128xf32, #tpu.memory_space<hbm>> -> memref<256x128xf32, #tpu.memory_space<hbm>>
    tpu.enqueue_dma source(%arg4 : memref<256x128xf32, #tpu.memory_space<vmem>>) target(%dma_start3A_239 : memref<256x128xf32, #tpu.memory_space<hbm>>) target_semaphore(%arg5 : memref<!tpu.dma_semaphore, #tpu.memory_space<semaphore_mem>>)
    %dma_start3A_240 = arith.constant 0 : i32
    %dma_start3A_241 = tpu.memref_slice %arg3[%add3A_88, %mul3A_90, %dma_start3A_240] : memref<128x2048x128xf32, #tpu.memory_space<hbm>> -> memref<1x256x128xf32, #tpu.memory_space<hbm>>
    %dma_start3A_242 = tpu.memref_squeeze %dma_start3A_241 : memref<1x256x128xf32, #tpu.memory_space<hbm>> -> memref<256x128xf32, #tpu.memory_space<hbm>>
    %dma_start3A_243 = arith.constant 0 : i32
    %dma_start3A_244 = tpu.memref_slice %arg3[%add3A_88, %mul3A_90, %dma_start3A_243] : memref<128x2048x128xf32, #tpu.memory_space<hbm>> -> memref<1x256x128xf32, #tpu.memory_space<hbm>>
    %dma_start3A_245 = tpu.memref_squeeze %dma_start3A_244 : memref<1x256x128xf32, #tpu.memory_space<hbm>> -> memref<256x128xf32, #tpu.memory_space<hbm>>
    tpu.enqueue_dma source(%arg4 : memref<256x128xf32, #tpu.memory_space<vmem>>) target(%dma_start3A_245 : memref<256x128xf32, #tpu.memory_space<hbm>>) target_semaphore(%arg5 : memref<!tpu.dma_semaphore, #tpu.memory_space<semaphore_mem>>)
    %dma_start3A_246 = arith.constant 0 : i32
    %dma_start3A_247 = tpu.memref_slice %arg3[%add3A_92, %mul3A_94, %dma_start3A_246] : memref<128x2048x128xf32, #tpu.memory_space<hbm>> -> memref<1x256x128xf32, #tpu.memory_space<hbm>>
    %dma_start3A_248 = tpu.memref_squeeze %dma_start3A_247 : memref<1x256x128xf32, #tpu.memory_space<hbm>> -> memref<256x128xf32, #tpu.memory_space<hbm>>
    %dma_start3A_249 = arith.constant 0 : i32
    %dma_start3A_250 = tpu.memref_slice %arg3[%add3A_92, %mul3A_94, %dma_start3A_249] : memref<128x2048x128xf32, #tpu.memory_space<hbm>> -> memref<1x256x128xf32, #tpu.memory_space<hbm>>
    %dma_start3A_251 = tpu.memref_squeeze %dma_start3A_250 : memref<1x256x128xf32, #tpu.memory_space<hbm>> -> memref<256x128xf32, #tpu.memory_space<hbm>>
    tpu.enqueue_dma source(%arg4 : memref<256x128xf32, #tpu.memory_space<vmem>>) target(%dma_start3A_251 : memref<256x128xf32, #tpu.memory_space<hbm>>) target_semaphore(%arg5 : memref<!tpu.dma_semaphore, #tpu.memory_space<semaphore_mem>>)
    %dma_start3A_252 = arith.constant 0 : i32
    %dma_start3A_253 = tpu.memref_slice %arg3[%add3A_96, %mul3A_98, %dma_start3A_252] : memref<128x2048x128xf32, #tpu.memory_space<hbm>> -> memref<1x256x128xf32, #tpu.memory_space<hbm>>
    %dma_start3A_254 = tpu.memref_squeeze %dma_start3A_253 : memref<1x256x128xf32, #tpu.memory_space<hbm>> -> memref<256x128xf32, #tpu.memory_space<hbm>>
    %dma_start3A_255 = arith.constant 0 : i32
    %dma_start3A_256 = tpu.memref_slice %arg3[%add3A_96, %mul3A_98, %dma_start3A_255] : memref<128x2048x128xf32, #tpu.memory_space<hbm>> -> memref<1x256x128xf32, #tpu.memory_space<hbm>>
    %dma_start3A_257 = tpu.memref_squeeze %dma_start3A_256 : memref<1x256x128xf32, #tpu.memory_space<hbm>> -> memref<256x128xf32, #tpu.memory_space<hbm>>
    tpu.enqueue_dma source(%arg4 : memref<256x128xf32, #tpu.memory_space<vmem>>) target(%dma_start3A_257 : memref<256x128xf32, #tpu.memory_space<hbm>>) target_semaphore(%arg5 : memref<!tpu.dma_semaphore, #tpu.memory_space<semaphore_mem>>)
    %dma_start3A_258 = arith.constant 0 : i32
    %dma_start3A_259 = tpu.memref_slice %arg3[%add3A_100, %mul3A_102, %dma_start3A_258] : memref<128x2048x128xf32, #tpu.memory_space<hbm>> -> memref<1x256x128xf32, #tpu.memory_space<hbm>>
    %dma_start3A_260 = tpu.memref_squeeze %dma_start3A_259 : memref<1x256x128xf32, #tpu.memory_space<hbm>> -> memref<256x128xf32, #tpu.memory_space<hbm>>
    %dma_start3A_261 = arith.constant 0 : i32
    %dma_start3A_262 = tpu.memref_slice %arg3[%add3A_100, %mul3A_102, %dma_start3A_261] : memref<128x2048x128xf32, #tpu.memory_space<hbm>> -> memref<1x256x128xf32, #tpu.memory_space<hbm>>
    %dma_start3A_263 = tpu.memref_squeeze %dma_start3A_262 : memref<1x256x128xf32, #tpu.memory_space<hbm>> -> memref<256x128xf32, #tpu.memory_space<hbm>>
    tpu.enqueue_dma source(%arg4 : memref<256x128xf32, #tpu.memory_space<vmem>>) target(%dma_start3A_263 : memref<256x128xf32, #tpu.memory_space<hbm>>) target_semaphore(%arg5 : memref<!tpu.dma_semaphore, #tpu.memory_space<semaphore_mem>>)
    %dma_start3A_264 = arith.constant 0 : i32
    %dma_start3A_265 = tpu.memref_slice %arg3[%add3A_104, %mul3A_106, %dma_start3A_264] : memref<128x2048x128xf32, #tpu.memory_space<hbm>> -> memref<1x256x128xf32, #tpu.memory_space<hbm>>
    %dma_start3A_266 = tpu.memref_squeeze %dma_start3A_265 : memref<1x256x128xf32, #tpu.memory_space<hbm>> -> memref<256x128xf32, #tpu.memory_space<hbm>>
    %dma_start3A_267 = arith.constant 0 : i32
    %dma_start3A_268 = tpu.memref_slice %arg3[%add3A_104, %mul3A_106, %dma_start3A_267] : memref<128x2048x128xf32, #tpu.memory_space<hbm>> -> memref<1x256x128xf32, #tpu.memory_space<hbm>>
    %dma_start3A_269 = tpu.memref_squeeze %dma_start3A_268 : memref<1x256x128xf32, #tpu.memory_space<hbm>> -> memref<256x128xf32, #tpu.memory_space<hbm>>
    tpu.enqueue_dma source(%arg4 : memref<256x128xf32, #tpu.memory_space<vmem>>) target(%dma_start3A_269 : memref<256x128xf32, #tpu.memory_space<hbm>>) target_semaphore(%arg5 : memref<!tpu.dma_semaphore, #tpu.memory_space<semaphore_mem>>)
    %dma_start3A_270 = arith.constant 0 : i32
    %dma_start3A_271 = tpu.memref_slice %arg3[%add3A_108, %mul3A_110, %dma_start3A_270] : memref<128x2048x128xf32, #tpu.memory_space<hbm>> -> memref<1x256x128xf32, #tpu.memory_space<hbm>>
    %dma_start3A_272 = tpu.memref_squeeze %dma_start3A_271 : memref<1x256x128xf32, #tpu.memory_space<hbm>> -> memref<256x128xf32, #tpu.memory_space<hbm>>
    %dma_start3A_273 = arith.constant 0 : i32
    %dma_start3A_274 = tpu.memref_slice %arg3[%add3A_108, %mul3A_110, %dma_start3A_273] : memref<128x2048x128xf32, #tpu.memory_space<hbm>> -> memref<1x256x128xf32, #tpu.memory_space<hbm>>
    %dma_start3A_275 = tpu.memref_squeeze %dma_start3A_274 : memref<1x256x128xf32, #tpu.memory_space<hbm>> -> memref<256x128xf32, #tpu.memory_space<hbm>>
    tpu.enqueue_dma source(%arg4 : memref<256x128xf32, #tpu.memory_space<vmem>>) target(%dma_start3A_275 : memref<256x128xf32, #tpu.memory_space<hbm>>) target_semaphore(%arg5 : memref<!tpu.dma_semaphore, #tpu.memory_space<semaphore_mem>>)
    %dma_start3A_276 = arith.constant 0 : i32
    %dma_start3A_277 = tpu.memref_slice %arg3[%add3A_112, %mul3A_114, %dma_start3A_276] : memref<128x2048x128xf32, #tpu.memory_space<hbm>> -> memref<1x256x128xf32, #tpu.memory_space<hbm>>
    %dma_start3A_278 = tpu.memref_squeeze %dma_start3A_277 : memref<1x256x128xf32, #tpu.memory_space<hbm>> -> memref<256x128xf32, #tpu.memory_space<hbm>>
    %dma_start3A_279 = arith.constant 0 : i32
    %dma_start3A_280 = tpu.memref_slice %arg3[%add3A_112, %mul3A_114, %dma_start3A_279] : memref<128x2048x128xf32, #tpu.memory_space<hbm>> -> memref<1x256x128xf32, #tpu.memory_space<hbm>>
    %dma_start3A_281 = tpu.memref_squeeze %dma_start3A_280 : memref<1x256x128xf32, #tpu.memory_space<hbm>> -> memref<256x128xf32, #tpu.memory_space<hbm>>
    tpu.enqueue_dma source(%arg4 : memref<256x128xf32, #tpu.memory_space<vmem>>) target(%dma_start3A_281 : memref<256x128xf32, #tpu.memory_space<hbm>>) target_semaphore(%arg5 : memref<!tpu.dma_semaphore, #tpu.memory_space<semaphore_mem>>)
    %dma_start3A_282 = arith.constant 0 : i32
    %dma_start3A_283 = tpu.memref_slice %arg3[%add3A_116, %mul3A_118, %dma_start3A_282] : memref<128x2048x128xf32, #tpu.memory_space<hbm>> -> memref<1x256x128xf32, #tpu.memory_space<hbm>>
    %dma_start3A_284 = tpu.memref_squeeze %dma_start3A_283 : memref<1x256x128xf32, #tpu.memory_space<hbm>> -> memref<256x128xf32, #tpu.memory_space<hbm>>
    %dma_start3A_285 = arith.constant 0 : i32
    %dma_start3A_286 = tpu.memref_slice %arg3[%add3A_116, %mul3A_118, %dma_start3A_285] : memref<128x2048x128xf32, #tpu.memory_space<hbm>> -> memref<1x256x128xf32, #tpu.memory_space<hbm>>
    %dma_start3A_287 = tpu.memref_squeeze %dma_start3A_286 : memref<1x256x128xf32, #tpu.memory_space<hbm>> -> memref<256x128xf32, #tpu.memory_space<hbm>>
    tpu.enqueue_dma source(%arg4 : memref<256x128xf32, #tpu.memory_space<vmem>>) target(%dma_start3A_287 : memref<256x128xf32, #tpu.memory_space<hbm>>) target_semaphore(%arg5 : memref<!tpu.dma_semaphore, #tpu.memory_space<semaphore_mem>>)
    %dma_start3A_288 = arith.constant 0 : i32
    %dma_start3A_289 = tpu.memref_slice %arg3[%add3A_120, %mul3A_122, %dma_start3A_288] : memref<128x2048x128xf32, #tpu.memory_space<hbm>> -> memref<1x256x128xf32, #tpu.memory_space<hbm>>
    %dma_start3A_290 = tpu.memref_squeeze %dma_start3A_289 : memref<1x256x128xf32, #tpu.memory_space<hbm>> -> memref<256x128xf32, #tpu.memory_space<hbm>>
    %dma_start3A_291 = arith.constant 0 : i32
    %dma_start3A_292 = tpu.memref_slice %arg3[%add3A_120, %mul3A_122, %dma_start3A_291] : memref<128x2048x128xf32, #tpu.memory_space<hbm>> -> memref<1x256x128xf32, #tpu.memory_space<hbm>>
    %dma_start3A_293 = tpu.memref_squeeze %dma_start3A_292 : memref<1x256x128xf32, #tpu.memory_space<hbm>> -> memref<256x128xf32, #tpu.memory_space<hbm>>
    tpu.enqueue_dma source(%arg4 : memref<256x128xf32, #tpu.memory_space<vmem>>) target(%dma_start3A_293 : memref<256x128xf32, #tpu.memory_space<hbm>>) target_semaphore(%arg5 : memref<!tpu.dma_semaphore, #tpu.memory_space<semaphore_mem>>)
    %dma_start3A_294 = arith.constant 0 : i32
    %dma_start3A_295 = tpu.memref_slice %arg3[%add3A_124, %mul3A_126, %dma_start3A_294] : memref<128x2048x128xf32, #tpu.memory_space<hbm>> -> memref<1x256x128xf32, #tpu.memory_space<hbm>>
    %dma_start3A_296 = tpu.memref_squeeze %dma_start3A_295 : memref<1x256x128xf32, #tpu.memory_space<hbm>> -> memref<256x128xf32, #tpu.memory_space<hbm>>
    %dma_start3A_297 = arith.constant 0 : i32
    %dma_start3A_298 = tpu.memref_slice %arg3[%add3A_124, %mul3A_126, %dma_start3A_297] : memref<128x2048x128xf32, #tpu.memory_space<hbm>> -> memref<1x256x128xf32, #tpu.memory_space<hbm>>
    %dma_start3A_299 = tpu.memref_squeeze %dma_start3A_298 : memref<1x256x128xf32, #tpu.memory_space<hbm>> -> memref<256x128xf32, #tpu.memory_space<hbm>>
    tpu.enqueue_dma source(%arg4 : memref<256x128xf32, #tpu.memory_space<vmem>>) target(%dma_start3A_299 : memref<256x128xf32, #tpu.memory_space<hbm>>) target_semaphore(%arg5 : memref<!tpu.dma_semaphore, #tpu.memory_space<semaphore_mem>>)
    %dma_start3A_300 = arith.constant 0 : i32
    %dma_start3A_301 = tpu.memref_slice %arg3[%add3A_128, %mul3A_130, %dma_start3A_300] : memref<128x2048x128xf32, #tpu.memory_space<hbm>> -> memref<1x256x128xf32, #tpu.memory_space<hbm>>
    %dma_start3A_302 = tpu.memref_squeeze %dma_start3A_301 : memref<1x256x128xf32, #tpu.memory_space<hbm>> -> memref<256x128xf32, #tpu.memory_space<hbm>>
    %dma_start3A_303 = arith.constant 0 : i32
    %dma_start3A_304 = tpu.memref_slice %arg3[%add3A_128, %mul3A_130, %dma_start3A_303] : memref<128x2048x128xf32, #tpu.memory_space<hbm>> -> memref<1x256x128xf32, #tpu.memory_space<hbm>>
    %dma_start3A_305 = tpu.memref_squeeze %dma_start3A_304 : memref<1x256x128xf32, #tpu.memory_space<hbm>> -> memref<256x128xf32, #tpu.memory_space<hbm>>
    tpu.enqueue_dma source(%arg4 : memref<256x128xf32, #tpu.memory_space<vmem>>) target(%dma_start3A_305 : memref<256x128xf32, #tpu.memory_space<hbm>>) target_semaphore(%arg5 : memref<!tpu.dma_semaphore, #tpu.memory_space<semaphore_mem>>)
    %dma_start3A_306 = arith.constant 0 : i32
    %dma_start3A_307 = tpu.memref_slice %arg3[%add3A_132, %mul3A_134, %dma_start3A_306] : memref<128x2048x128xf32, #tpu.memory_space<hbm>> -> memref<1x256x128xf32, #tpu.memory_space<hbm>>
    %dma_start3A_308 = tpu.memref_squeeze %dma_start3A_307 : memref<1x256x128xf32, #tpu.memory_space<hbm>> -> memref<256x128xf32, #tpu.memory_space<hbm>>
    %dma_start3A_309 = arith.constant 0 : i32
    %dma_start3A_310 = tpu.memref_slice %arg3[%add3A_132, %mul3A_134, %dma_start3A_309] : memref<128x2048x128xf32, #tpu.memory_space<hbm>> -> memref<1x256x128xf32, #tpu.memory_space<hbm>>
    %dma_start3A_311 = tpu.memref_squeeze %dma_start3A_310 : memref<1x256x128xf32, #tpu.memory_space<hbm>> -> memref<256x128xf32, #tpu.memory_space<hbm>>
    tpu.enqueue_dma source(%arg4 : memref<256x128xf32, #tpu.memory_space<vmem>>) target(%dma_start3A_311 : memref<256x128xf32, #tpu.memory_space<hbm>>) target_semaphore(%arg5 : memref<!tpu.dma_semaphore, #tpu.memory_space<semaphore_mem>>)
    %dma_start3A_312 = arith.constant 0 : i32
    %dma_start3A_313 = tpu.memref_slice %arg3[%add3A_136, %mul3A_138, %dma_start3A_312] : memref<128x2048x128xf32, #tpu.memory_space<hbm>> -> memref<1x256x128xf32, #tpu.memory_space<hbm>>
    %dma_start3A_314 = tpu.memref_squeeze %dma_start3A_313 : memref<1x256x128xf32, #tpu.memory_space<hbm>> -> memref<256x128xf32, #tpu.memory_space<hbm>>
    %dma_start3A_315 = arith.constant 0 : i32
    %dma_start3A_316 = tpu.memref_slice %arg3[%add3A_136, %mul3A_138, %dma_start3A_315] : memref<128x2048x128xf32, #tpu.memory_space<hbm>> -> memref<1x256x128xf32, #tpu.memory_space<hbm>>
    %dma_start3A_317 = tpu.memref_squeeze %dma_start3A_316 : memref<1x256x128xf32, #tpu.memory_space<hbm>> -> memref<256x128xf32, #tpu.memory_space<hbm>>
    tpu.enqueue_dma source(%arg4 : memref<256x128xf32, #tpu.memory_space<vmem>>) target(%dma_start3A_317 : memref<256x128xf32, #tpu.memory_space<hbm>>) target_semaphore(%arg5 : memref<!tpu.dma_semaphore, #tpu.memory_space<semaphore_mem>>)
    %dma_start3A_318 = arith.constant 0 : i32
    %dma_start3A_319 = tpu.memref_slice %arg3[%add3A_140, %mul3A_142, %dma_start3A_318] : memref<128x2048x128xf32, #tpu.memory_space<hbm>> -> memref<1x256x128xf32, #tpu.memory_space<hbm>>
    %dma_start3A_320 = tpu.memref_squeeze %dma_start3A_319 : memref<1x256x128xf32, #tpu.memory_space<hbm>> -> memref<256x128xf32, #tpu.memory_space<hbm>>
    %dma_start3A_321 = arith.constant 0 : i32
    %dma_start3A_322 = tpu.memref_slice %arg3[%add3A_140, %mul3A_142, %dma_start3A_321] : memref<128x2048x128xf32, #tpu.memory_space<hbm>> -> memref<1x256x128xf32, #tpu.memory_space<hbm>>
    %dma_start3A_323 = tpu.memref_squeeze %dma_start3A_322 : memref<1x256x128xf32, #tpu.memory_space<hbm>> -> memref<256x128xf32, #tpu.memory_space<hbm>>
    tpu.enqueue_dma source(%arg4 : memref<256x128xf32, #tpu.memory_space<vmem>>) target(%dma_start3A_323 : memref<256x128xf32, #tpu.memory_space<hbm>>) target_semaphore(%arg5 : memref<!tpu.dma_semaphore, #tpu.memory_space<semaphore_mem>>)
    %dma_start3A_324 = arith.constant 0 : i32
    %dma_start3A_325 = tpu.memref_slice %arg3[%add3A_144, %mul3A_146, %dma_start3A_324] : memref<128x2048x128xf32, #tpu.memory_space<hbm>> -> memref<1x256x128xf32, #tpu.memory_space<hbm>>
    %dma_start3A_326 = tpu.memref_squeeze %dma_start3A_325 : memref<1x256x128xf32, #tpu.memory_space<hbm>> -> memref<256x128xf32, #tpu.memory_space<hbm>>
    %dma_start3A_327 = arith.constant 0 : i32
    %dma_start3A_328 = tpu.memref_slice %arg3[%add3A_144, %mul3A_146, %dma_start3A_327] : memref<128x2048x128xf32, #tpu.memory_space<hbm>> -> memref<1x256x128xf32, #tpu.memory_space<hbm>>
    %dma_start3A_329 = tpu.memref_squeeze %dma_start3A_328 : memref<1x256x128xf32, #tpu.memory_space<hbm>> -> memref<256x128xf32, #tpu.memory_space<hbm>>
    tpu.enqueue_dma source(%arg4 : memref<256x128xf32, #tpu.memory_space<vmem>>) target(%dma_start3A_329 : memref<256x128xf32, #tpu.memory_space<hbm>>) target_semaphore(%arg5 : memref<!tpu.dma_semaphore, #tpu.memory_space<semaphore_mem>>)
    %dma_start3A_330 = arith.constant 0 : i32
    %dma_start3A_331 = tpu.memref_slice %arg3[%add3A_148, %mul3A_150, %dma_start3A_330] : memref<128x2048x128xf32, #tpu.memory_space<hbm>> -> memref<1x256x128xf32, #tpu.memory_space<hbm>>
    %dma_start3A_332 = tpu.memref_squeeze %dma_start3A_331 : memref<1x256x128xf32, #tpu.memory_space<hbm>> -> memref<256x128xf32, #tpu.memory_space<hbm>>
    %dma_start3A_333 = arith.constant 0 : i32
    %dma_start3A_334 = tpu.memref_slice %arg3[%add3A_148, %mul3A_150, %dma_start3A_333] : memref<128x2048x128xf32, #tpu.memory_space<hbm>> -> memref<1x256x128xf32, #tpu.memory_space<hbm>>
    %dma_start3A_335 = tpu.memref_squeeze %dma_start3A_334 : memref<1x256x128xf32, #tpu.memory_space<hbm>> -> memref<256x128xf32, #tpu.memory_space<hbm>>
    tpu.enqueue_dma source(%arg4 : memref<256x128xf32, #tpu.memory_space<vmem>>) target(%dma_start3A_335 : memref<256x128xf32, #tpu.memory_space<hbm>>) target_semaphore(%arg5 : memref<!tpu.dma_semaphore, #tpu.memory_space<semaphore_mem>>)
    %dma_start3A_336 = arith.constant 0 : i32
    %dma_start3A_337 = tpu.memref_slice %arg3[%add3A_152, %mul3A_154, %dma_start3A_336] : memref<128x2048x128xf32, #tpu.memory_space<hbm>> -> memref<1x256x128xf32, #tpu.memory_space<hbm>>
    %dma_start3A_338 = tpu.memref_squeeze %dma_start3A_337 : memref<1x256x128xf32, #tpu.memory_space<hbm>> -> memref<256x128xf32, #tpu.memory_space<hbm>>
    %dma_start3A_339 = arith.constant 0 : i32
    %dma_start3A_340 = tpu.memref_slice %arg3[%add3A_152, %mul3A_154, %dma_start3A_339] : memref<128x2048x128xf32, #tpu.memory_space<hbm>> -> memref<1x256x128xf32, #tpu.memory_space<hbm>>
    %dma_start3A_341 = tpu.memref_squeeze %dma_start3A_340 : memref<1x256x128xf32, #tpu.memory_space<hbm>> -> memref<256x128xf32, #tpu.memory_space<hbm>>
    tpu.enqueue_dma source(%arg4 : memref<256x128xf32, #tpu.memory_space<vmem>>) target(%dma_start3A_341 : memref<256x128xf32, #tpu.memory_space<hbm>>) target_semaphore(%arg5 : memref<!tpu.dma_semaphore, #tpu.memory_space<semaphore_mem>>)
    %dma_start3A_342 = arith.constant 0 : i32
    %dma_start3A_343 = tpu.memref_slice %arg3[%add3A_156, %mul3A_158, %dma_start3A_342] : memref<128x2048x128xf32, #tpu.memory_space<hbm>> -> memref<1x256x128xf32, #tpu.memory_space<hbm>>
    %dma_start3A_344 = tpu.memref_squeeze %dma_start3A_343 : memref<1x256x128xf32, #tpu.memory_space<hbm>> -> memref<256x128xf32, #tpu.memory_space<hbm>>
    %dma_start3A_345 = arith.constant 0 : i32
    %dma_start3A_346 = tpu.memref_slice %arg3[%add3A_156, %mul3A_158, %dma_start3A_345] : memref<128x2048x128xf32, #tpu.memory_space<hbm>> -> memref<1x256x128xf32, #tpu.memory_space<hbm>>
    %dma_start3A_347 = tpu.memref_squeeze %dma_start3A_346 : memref<1x256x128xf32, #tpu.memory_space<hbm>> -> memref<256x128xf32, #tpu.memory_space<hbm>>
    tpu.enqueue_dma source(%arg4 : memref<256x128xf32, #tpu.memory_space<vmem>>) target(%dma_start3A_347 : memref<256x128xf32, #tpu.memory_space<hbm>>) target_semaphore(%arg5 : memref<!tpu.dma_semaphore, #tpu.memory_space<semaphore_mem>>)
    %dma_start3A_348 = arith.constant 0 : i32
    %dma_start3A_349 = tpu.memref_slice %arg3[%add3A_160, %mul3A_162, %dma_start3A_348] : memref<128x2048x128xf32, #tpu.memory_space<hbm>> -> memref<1x256x128xf32, #tpu.memory_space<hbm>>
    %dma_start3A_350 = tpu.memref_squeeze %dma_start3A_349 : memref<1x256x128xf32, #tpu.memory_space<hbm>> -> memref<256x128xf32, #tpu.memory_space<hbm>>
    %dma_start3A_351 = arith.constant 0 : i32
    %dma_start3A_352 = tpu.memref_slice %arg3[%add3A_160, %mul3A_162, %dma_start3A_351] : memref<128x2048x128xf32, #tpu.memory_space<hbm>> -> memref<1x256x128xf32, #tpu.memory_space<hbm>>
    %dma_start3A_353 = tpu.memref_squeeze %dma_start3A_352 : memref<1x256x128xf32, #tpu.memory_space<hbm>> -> memref<256x128xf32, #tpu.memory_space<hbm>>
    tpu.enqueue_dma source(%arg4 : memref<256x128xf32, #tpu.memory_space<vmem>>) target(%dma_start3A_353 : memref<256x128xf32, #tpu.memory_space<hbm>>) target_semaphore(%arg5 : memref<!tpu.dma_semaphore, #tpu.memory_space<semaphore_mem>>)
    %dma_wait3A = arith.constant 0 : i32
    %dma_wait3A_354 = tpu.memref_slice %arg3[%add3A_36, %mul3A_38, %dma_wait3A] : memref<128x2048x128xf32, #tpu.memory_space<hbm>> -> memref<1x256x128xf32, #tpu.memory_space<hbm>>
    %dma_wait3A_355 = tpu.memref_squeeze %dma_wait3A_354 : memref<1x256x128xf32, #tpu.memory_space<hbm>> -> memref<256x128xf32, #tpu.memory_space<hbm>>
    %dma_wait3A_356 = arith.constant 0 : i32
    %dma_wait3A_357 = tpu.memref_slice %arg3[%add3A_36, %mul3A_38, %dma_wait3A_356] : memref<128x2048x128xf32, #tpu.memory_space<hbm>> -> memref<1x256x128xf32, #tpu.memory_space<hbm>>
    %dma_wait3A_358 = tpu.memref_squeeze %dma_wait3A_357 : memref<1x256x128xf32, #tpu.memory_space<hbm>> -> memref<256x128xf32, #tpu.memory_space<hbm>>
    tpu.wait_dma2 semaphore(%arg5 : memref<!tpu.dma_semaphore, #tpu.memory_space<semaphore_mem>>) src(%arg4 : memref<256x128xf32, #tpu.memory_space<vmem>>) dst(%dma_wait3A_358 : memref<256x128xf32, #tpu.memory_space<hbm>>)
    %dma_wait3A_359 = arith.constant 0 : i32
    %dma_wait3A_360 = tpu.memref_slice %arg3[%add3A_40, %mul3A_42, %dma_wait3A_359] : memref<128x2048x128xf32, #tpu.memory_space<hbm>> -> memref<1x256x128xf32, #tpu.memory_space<hbm>>
    %dma_wait3A_361 = tpu.memref_squeeze %dma_wait3A_360 : memref<1x256x128xf32, #tpu.memory_space<hbm>> -> memref<256x128xf32, #tpu.memory_space<hbm>>
    %dma_wait3A_362 = arith.constant 0 : i32
    %dma_wait3A_363 = tpu.memref_slice %arg3[%add3A_40, %mul3A_42, %dma_wait3A_362] : memref<128x2048x128xf32, #tpu.memory_space<hbm>> -> memref<1x256x128xf32, #tpu.memory_space<hbm>>
    %dma_wait3A_364 = tpu.memref_squeeze %dma_wait3A_363 : memref<1x256x128xf32, #tpu.memory_space<hbm>> -> memref<256x128xf32, #tpu.memory_space<hbm>>
    tpu.wait_dma2 semaphore(%arg5 : memref<!tpu.dma_semaphore, #tpu.memory_space<semaphore_mem>>) src(%arg4 : memref<256x128xf32, #tpu.memory_space<vmem>>) dst(%dma_wait3A_364 : memref<256x128xf32, #tpu.memory_space<hbm>>)
    %dma_wait3A_365 = arith.constant 0 : i32
    %dma_wait3A_366 = tpu.memref_slice %arg3[%add3A_44, %mul3A_46, %dma_wait3A_365] : memref<128x2048x128xf32, #tpu.memory_space<hbm>> -> memref<1x256x128xf32, #tpu.memory_space<hbm>>
    %dma_wait3A_367 = tpu.memref_squeeze %dma_wait3A_366 : memref<1x256x128xf32, #tpu.memory_space<hbm>> -> memref<256x128xf32, #tpu.memory_space<hbm>>
    %dma_wait3A_368 = arith.constant 0 : i32
    %dma_wait3A_369 = tpu.memref_slice %arg3[%add3A_44, %mul3A_46, %dma_wait3A_368] : memref<128x2048x128xf32, #tpu.memory_space<hbm>> -> memref<1x256x128xf32, #tpu.memory_space<hbm>>
    %dma_wait3A_370 = tpu.memref_squeeze %dma_wait3A_369 : memref<1x256x128xf32, #tpu.memory_space<hbm>> -> memref<256x128xf32, #tpu.memory_space<hbm>>
    tpu.wait_dma2 semaphore(%arg5 : memref<!tpu.dma_semaphore, #tpu.memory_space<semaphore_mem>>) src(%arg4 : memref<256x128xf32, #tpu.memory_space<vmem>>) dst(%dma_wait3A_370 : memref<256x128xf32, #tpu.memory_space<hbm>>)
    %dma_wait3A_371 = arith.constant 0 : i32
    %dma_wait3A_372 = tpu.memref_slice %arg3[%add3A_48, %mul3A_50, %dma_wait3A_371] : memref<128x2048x128xf32, #tpu.memory_space<hbm>> -> memref<1x256x128xf32, #tpu.memory_space<hbm>>
    %dma_wait3A_373 = tpu.memref_squeeze %dma_wait3A_372 : memref<1x256x128xf32, #tpu.memory_space<hbm>> -> memref<256x128xf32, #tpu.memory_space<hbm>>
    %dma_wait3A_374 = arith.constant 0 : i32
    %dma_wait3A_375 = tpu.memref_slice %arg3[%add3A_48, %mul3A_50, %dma_wait3A_374] : memref<128x2048x128xf32, #tpu.memory_space<hbm>> -> memref<1x256x128xf32, #tpu.memory_space<hbm>>
    %dma_wait3A_376 = tpu.memref_squeeze %dma_wait3A_375 : memref<1x256x128xf32, #tpu.memory_space<hbm>> -> memref<256x128xf32, #tpu.memory_space<hbm>>
    tpu.wait_dma2 semaphore(%arg5 : memref<!tpu.dma_semaphore, #tpu.memory_space<semaphore_mem>>) src(%arg4 : memref<256x128xf32, #tpu.memory_space<vmem>>) dst(%dma_wait3A_376 : memref<256x128xf32, #tpu.memory_space<hbm>>)
    %dma_wait3A_377 = arith.constant 0 : i32
    %dma_wait3A_378 = tpu.memref_slice %arg3[%add3A_52, %mul3A_54, %dma_wait3A_377] : memref<128x2048x128xf32, #tpu.memory_space<hbm>> -> memref<1x256x128xf32, #tpu.memory_space<hbm>>
    %dma_wait3A_379 = tpu.memref_squeeze %dma_wait3A_378 : memref<1x256x128xf32, #tpu.memory_space<hbm>> -> memref<256x128xf32, #tpu.memory_space<hbm>>
    %dma_wait3A_380 = arith.constant 0 : i32
    %dma_wait3A_381 = tpu.memref_slice %arg3[%add3A_52, %mul3A_54, %dma_wait3A_380] : memref<128x2048x128xf32, #tpu.memory_space<hbm>> -> memref<1x256x128xf32, #tpu.memory_space<hbm>>
    %dma_wait3A_382 = tpu.memref_squeeze %dma_wait3A_381 : memref<1x256x128xf32, #tpu.memory_space<hbm>> -> memref<256x128xf32, #tpu.memory_space<hbm>>
    tpu.wait_dma2 semaphore(%arg5 : memref<!tpu.dma_semaphore, #tpu.memory_space<semaphore_mem>>) src(%arg4 : memref<256x128xf32, #tpu.memory_space<vmem>>) dst(%dma_wait3A_382 : memref<256x128xf32, #tpu.memory_space<hbm>>)
    %dma_wait3A_383 = arith.constant 0 : i32
    %dma_wait3A_384 = tpu.memref_slice %arg3[%add3A_56, %mul3A_58, %dma_wait3A_383] : memref<128x2048x128xf32, #tpu.memory_space<hbm>> -> memref<1x256x128xf32, #tpu.memory_space<hbm>>
    %dma_wait3A_385 = tpu.memref_squeeze %dma_wait3A_384 : memref<1x256x128xf32, #tpu.memory_space<hbm>> -> memref<256x128xf32, #tpu.memory_space<hbm>>
    %dma_wait3A_386 = arith.constant 0 : i32
    %dma_wait3A_387 = tpu.memref_slice %arg3[%add3A_56, %mul3A_58, %dma_wait3A_386] : memref<128x2048x128xf32, #tpu.memory_space<hbm>> -> memref<1x256x128xf32, #tpu.memory_space<hbm>>
    %dma_wait3A_388 = tpu.memref_squeeze %dma_wait3A_387 : memref<1x256x128xf32, #tpu.memory_space<hbm>> -> memref<256x128xf32, #tpu.memory_space<hbm>>
    tpu.wait_dma2 semaphore(%arg5 : memref<!tpu.dma_semaphore, #tpu.memory_space<semaphore_mem>>) src(%arg4 : memref<256x128xf32, #tpu.memory_space<vmem>>) dst(%dma_wait3A_388 : memref<256x128xf32, #tpu.memory_space<hbm>>)
    %dma_wait3A_389 = arith.constant 0 : i32
    %dma_wait3A_390 = tpu.memref_slice %arg3[%add3A_60, %mul3A_62, %dma_wait3A_389] : memref<128x2048x128xf32, #tpu.memory_space<hbm>> -> memref<1x256x128xf32, #tpu.memory_space<hbm>>
    %dma_wait3A_391 = tpu.memref_squeeze %dma_wait3A_390 : memref<1x256x128xf32, #tpu.memory_space<hbm>> -> memref<256x128xf32, #tpu.memory_space<hbm>>
    %dma_wait3A_392 = arith.constant 0 : i32
    %dma_wait3A_393 = tpu.memref_slice %arg3[%add3A_60, %mul3A_62, %dma_wait3A_392] : memref<128x2048x128xf32, #tpu.memory_space<hbm>> -> memref<1x256x128xf32, #tpu.memory_space<hbm>>
    %dma_wait3A_394 = tpu.memref_squeeze %dma_wait3A_393 : memref<1x256x128xf32, #tpu.memory_space<hbm>> -> memref<256x128xf32, #tpu.memory_space<hbm>>
    tpu.wait_dma2 semaphore(%arg5 : memref<!tpu.dma_semaphore, #tpu.memory_space<semaphore_mem>>) src(%arg4 : memref<256x128xf32, #tpu.memory_space<vmem>>) dst(%dma_wait3A_394 : memref<256x128xf32, #tpu.memory_space<hbm>>)
    %dma_wait3A_395 = arith.constant 0 : i32
    %dma_wait3A_396 = tpu.memref_slice %arg3[%add3A_64, %mul3A_66, %dma_wait3A_395] : memref<128x2048x128xf32, #tpu.memory_space<hbm>> -> memref<1x256x128xf32, #tpu.memory_space<hbm>>
    %dma_wait3A_397 = tpu.memref_squeeze %dma_wait3A_396 : memref<1x256x128xf32, #tpu.memory_space<hbm>> -> memref<256x128xf32, #tpu.memory_space<hbm>>
    %dma_wait3A_398 = arith.constant 0 : i32
    %dma_wait3A_399 = tpu.memref_slice %arg3[%add3A_64, %mul3A_66, %dma_wait3A_398] : memref<128x2048x128xf32, #tpu.memory_space<hbm>> -> memref<1x256x128xf32, #tpu.memory_space<hbm>>
    %dma_wait3A_400 = tpu.memref_squeeze %dma_wait3A_399 : memref<1x256x128xf32, #tpu.memory_space<hbm>> -> memref<256x128xf32, #tpu.memory_space<hbm>>
    tpu.wait_dma2 semaphore(%arg5 : memref<!tpu.dma_semaphore, #tpu.memory_space<semaphore_mem>>) src(%arg4 : memref<256x128xf32, #tpu.memory_space<vmem>>) dst(%dma_wait3A_400 : memref<256x128xf32, #tpu.memory_space<hbm>>)
    %dma_wait3A_401 = arith.constant 0 : i32
    %dma_wait3A_402 = tpu.memref_slice %arg3[%add3A_68, %mul3A_70, %dma_wait3A_401] : memref<128x2048x128xf32, #tpu.memory_space<hbm>> -> memref<1x256x128xf32, #tpu.memory_space<hbm>>
    %dma_wait3A_403 = tpu.memref_squeeze %dma_wait3A_402 : memref<1x256x128xf32, #tpu.memory_space<hbm>> -> memref<256x128xf32, #tpu.memory_space<hbm>>
    %dma_wait3A_404 = arith.constant 0 : i32
    %dma_wait3A_405 = tpu.memref_slice %arg3[%add3A_68, %mul3A_70, %dma_wait3A_404] : memref<128x2048x128xf32, #tpu.memory_space<hbm>> -> memref<1x256x128xf32, #tpu.memory_space<hbm>>
    %dma_wait3A_406 = tpu.memref_squeeze %dma_wait3A_405 : memref<1x256x128xf32, #tpu.memory_space<hbm>> -> memref<256x128xf32, #tpu.memory_space<hbm>>
    tpu.wait_dma2 semaphore(%arg5 : memref<!tpu.dma_semaphore, #tpu.memory_space<semaphore_mem>>) src(%arg4 : memref<256x128xf32, #tpu.memory_space<vmem>>) dst(%dma_wait3A_406 : memref<256x128xf32, #tpu.memory_space<hbm>>)
    %dma_wait3A_407 = arith.constant 0 : i32
    %dma_wait3A_408 = tpu.memref_slice %arg3[%add3A_72, %mul3A_74, %dma_wait3A_407] : memref<128x2048x128xf32, #tpu.memory_space<hbm>> -> memref<1x256x128xf32, #tpu.memory_space<hbm>>
    %dma_wait3A_409 = tpu.memref_squeeze %dma_wait3A_408 : memref<1x256x128xf32, #tpu.memory_space<hbm>> -> memref<256x128xf32, #tpu.memory_space<hbm>>
    %dma_wait3A_410 = arith.constant 0 : i32
    %dma_wait3A_411 = tpu.memref_slice %arg3[%add3A_72, %mul3A_74, %dma_wait3A_410] : memref<128x2048x128xf32, #tpu.memory_space<hbm>> -> memref<1x256x128xf32, #tpu.memory_space<hbm>>
    %dma_wait3A_412 = tpu.memref_squeeze %dma_wait3A_411 : memref<1x256x128xf32, #tpu.memory_space<hbm>> -> memref<256x128xf32, #tpu.memory_space<hbm>>
    tpu.wait_dma2 semaphore(%arg5 : memref<!tpu.dma_semaphore, #tpu.memory_space<semaphore_mem>>) src(%arg4 : memref<256x128xf32, #tpu.memory_space<vmem>>) dst(%dma_wait3A_412 : memref<256x128xf32, #tpu.memory_space<hbm>>)
    %dma_wait3A_413 = arith.constant 0 : i32
    %dma_wait3A_414 = tpu.memref_slice %arg3[%add3A_76, %mul3A_78, %dma_wait3A_413] : memref<128x2048x128xf32, #tpu.memory_space<hbm>> -> memref<1x256x128xf32, #tpu.memory_space<hbm>>
    %dma_wait3A_415 = tpu.memref_squeeze %dma_wait3A_414 : memref<1x256x128xf32, #tpu.memory_space<hbm>> -> memref<256x128xf32, #tpu.memory_space<hbm>>
    %dma_wait3A_416 = arith.constant 0 : i32
    %dma_wait3A_417 = tpu.memref_slice %arg3[%add3A_76, %mul3A_78, %dma_wait3A_416] : memref<128x2048x128xf32, #tpu.memory_space<hbm>> -> memref<1x256x128xf32, #tpu.memory_space<hbm>>
    %dma_wait3A_418 = tpu.memref_squeeze %dma_wait3A_417 : memref<1x256x128xf32, #tpu.memory_space<hbm>> -> memref<256x128xf32, #tpu.memory_space<hbm>>
    tpu.wait_dma2 semaphore(%arg5 : memref<!tpu.dma_semaphore, #tpu.memory_space<semaphore_mem>>) src(%arg4 : memref<256x128xf32, #tpu.memory_space<vmem>>) dst(%dma_wait3A_418 : memref<256x128xf32, #tpu.memory_space<hbm>>)
    %dma_wait3A_419 = arith.constant 0 : i32
    %dma_wait3A_420 = tpu.memref_slice %arg3[%add3A_80, %mul3A_82, %dma_wait3A_419] : memref<128x2048x128xf32, #tpu.memory_space<hbm>> -> memref<1x256x128xf32, #tpu.memory_space<hbm>>
    %dma_wait3A_421 = tpu.memref_squeeze %dma_wait3A_420 : memref<1x256x128xf32, #tpu.memory_space<hbm>> -> memref<256x128xf32, #tpu.memory_space<hbm>>
    %dma_wait3A_422 = arith.constant 0 : i32
    %dma_wait3A_423 = tpu.memref_slice %arg3[%add3A_80, %mul3A_82, %dma_wait3A_422] : memref<128x2048x128xf32, #tpu.memory_space<hbm>> -> memref<1x256x128xf32, #tpu.memory_space<hbm>>
    %dma_wait3A_424 = tpu.memref_squeeze %dma_wait3A_423 : memref<1x256x128xf32, #tpu.memory_space<hbm>> -> memref<256x128xf32, #tpu.memory_space<hbm>>
    tpu.wait_dma2 semaphore(%arg5 : memref<!tpu.dma_semaphore, #tpu.memory_space<semaphore_mem>>) src(%arg4 : memref<256x128xf32, #tpu.memory_space<vmem>>) dst(%dma_wait3A_424 : memref<256x128xf32, #tpu.memory_space<hbm>>)
    %dma_wait3A_425 = arith.constant 0 : i32
    %dma_wait3A_426 = tpu.memref_slice %arg3[%add3A_84, %mul3A_86, %dma_wait3A_425] : memref<128x2048x128xf32, #tpu.memory_space<hbm>> -> memref<1x256x128xf32, #tpu.memory_space<hbm>>
    %dma_wait3A_427 = tpu.memref_squeeze %dma_wait3A_426 : memref<1x256x128xf32, #tpu.memory_space<hbm>> -> memref<256x128xf32, #tpu.memory_space<hbm>>
    %dma_wait3A_428 = arith.constant 0 : i32
    %dma_wait3A_429 = tpu.memref_slice %arg3[%add3A_84, %mul3A_86, %dma_wait3A_428] : memref<128x2048x128xf32, #tpu.memory_space<hbm>> -> memref<1x256x128xf32, #tpu.memory_space<hbm>>
    %dma_wait3A_430 = tpu.memref_squeeze %dma_wait3A_429 : memref<1x256x128xf32, #tpu.memory_space<hbm>> -> memref<256x128xf32, #tpu.memory_space<hbm>>
    tpu.wait_dma2 semaphore(%arg5 : memref<!tpu.dma_semaphore, #tpu.memory_space<semaphore_mem>>) src(%arg4 : memref<256x128xf32, #tpu.memory_space<vmem>>) dst(%dma_wait3A_430 : memref<256x128xf32, #tpu.memory_space<hbm>>)
    %dma_wait3A_431 = arith.constant 0 : i32
    %dma_wait3A_432 = tpu.memref_slice %arg3[%add3A_88, %mul3A_90, %dma_wait3A_431] : memref<128x2048x128xf32, #tpu.memory_space<hbm>> -> memref<1x256x128xf32, #tpu.memory_space<hbm>>
    %dma_wait3A_433 = tpu.memref_squeeze %dma_wait3A_432 : memref<1x256x128xf32, #tpu.memory_space<hbm>> -> memref<256x128xf32, #tpu.memory_space<hbm>>
    %dma_wait3A_434 = arith.constant 0 : i32
    %dma_wait3A_435 = tpu.memref_slice %arg3[%add3A_88, %mul3A_90, %dma_wait3A_434] : memref<128x2048x128xf32, #tpu.memory_space<hbm>> -> memref<1x256x128xf32, #tpu.memory_space<hbm>>
    %dma_wait3A_436 = tpu.memref_squeeze %dma_wait3A_435 : memref<1x256x128xf32, #tpu.memory_space<hbm>> -> memref<256x128xf32, #tpu.memory_space<hbm>>
    tpu.wait_dma2 semaphore(%arg5 : memref<!tpu.dma_semaphore, #tpu.memory_space<semaphore_mem>>) src(%arg4 : memref<256x128xf32, #tpu.memory_space<vmem>>) dst(%dma_wait3A_436 : memref<256x128xf32, #tpu.memory_space<hbm>>)
    %dma_wait3A_437 = arith.constant 0 : i32
    %dma_wait3A_438 = tpu.memref_slice %arg3[%add3A_92, %mul3A_94, %dma_wait3A_437] : memref<128x2048x128xf32, #tpu.memory_space<hbm>> -> memref<1x256x128xf32, #tpu.memory_space<hbm>>
    %dma_wait3A_439 = tpu.memref_squeeze %dma_wait3A_438 : memref<1x256x128xf32, #tpu.memory_space<hbm>> -> memref<256x128xf32, #tpu.memory_space<hbm>>
    %dma_wait3A_440 = arith.constant 0 : i32
    %dma_wait3A_441 = tpu.memref_slice %arg3[%add3A_92, %mul3A_94, %dma_wait3A_440] : memref<128x2048x128xf32, #tpu.memory_space<hbm>> -> memref<1x256x128xf32, #tpu.memory_space<hbm>>
    %dma_wait3A_442 = tpu.memref_squeeze %dma_wait3A_441 : memref<1x256x128xf32, #tpu.memory_space<hbm>> -> memref<256x128xf32, #tpu.memory_space<hbm>>
    tpu.wait_dma2 semaphore(%arg5 : memref<!tpu.dma_semaphore, #tpu.memory_space<semaphore_mem>>) src(%arg4 : memref<256x128xf32, #tpu.memory_space<vmem>>) dst(%dma_wait3A_442 : memref<256x128xf32, #tpu.memory_space<hbm>>)
    %dma_wait3A_443 = arith.constant 0 : i32
    %dma_wait3A_444 = tpu.memref_slice %arg3[%add3A_96, %mul3A_98, %dma_wait3A_443] : memref<128x2048x128xf32, #tpu.memory_space<hbm>> -> memref<1x256x128xf32, #tpu.memory_space<hbm>>
    %dma_wait3A_445 = tpu.memref_squeeze %dma_wait3A_444 : memref<1x256x128xf32, #tpu.memory_space<hbm>> -> memref<256x128xf32, #tpu.memory_space<hbm>>
    %dma_wait3A_446 = arith.constant 0 : i32
    %dma_wait3A_447 = tpu.memref_slice %arg3[%add3A_96, %mul3A_98, %dma_wait3A_446] : memref<128x2048x128xf32, #tpu.memory_space<hbm>> -> memref<1x256x128xf32, #tpu.memory_space<hbm>>
    %dma_wait3A_448 = tpu.memref_squeeze %dma_wait3A_447 : memref<1x256x128xf32, #tpu.memory_space<hbm>> -> memref<256x128xf32, #tpu.memory_space<hbm>>
    tpu.wait_dma2 semaphore(%arg5 : memref<!tpu.dma_semaphore, #tpu.memory_space<semaphore_mem>>) src(%arg4 : memref<256x128xf32, #tpu.memory_space<vmem>>) dst(%dma_wait3A_448 : memref<256x128xf32, #tpu.memory_space<hbm>>)
    %dma_wait3A_449 = arith.constant 0 : i32
    %dma_wait3A_450 = tpu.memref_slice %arg3[%add3A_100, %mul3A_102, %dma_wait3A_449] : memref<128x2048x128xf32, #tpu.memory_space<hbm>> -> memref<1x256x128xf32, #tpu.memory_space<hbm>>
    %dma_wait3A_451 = tpu.memref_squeeze %dma_wait3A_450 : memref<1x256x128xf32, #tpu.memory_space<hbm>> -> memref<256x128xf32, #tpu.memory_space<hbm>>
    %dma_wait3A_452 = arith.constant 0 : i32
    %dma_wait3A_453 = tpu.memref_slice %arg3[%add3A_100, %mul3A_102, %dma_wait3A_452] : memref<128x2048x128xf32, #tpu.memory_space<hbm>> -> memref<1x256x128xf32, #tpu.memory_space<hbm>>
    %dma_wait3A_454 = tpu.memref_squeeze %dma_wait3A_453 : memref<1x256x128xf32, #tpu.memory_space<hbm>> -> memref<256x128xf32, #tpu.memory_space<hbm>>
    tpu.wait_dma2 semaphore(%arg5 : memref<!tpu.dma_semaphore, #tpu.memory_space<semaphore_mem>>) src(%arg4 : memref<256x128xf32, #tpu.memory_space<vmem>>) dst(%dma_wait3A_454 : memref<256x128xf32, #tpu.memory_space<hbm>>)
    %dma_wait3A_455 = arith.constant 0 : i32
    %dma_wait3A_456 = tpu.memref_slice %arg3[%add3A_104, %mul3A_106, %dma_wait3A_455] : memref<128x2048x128xf32, #tpu.memory_space<hbm>> -> memref<1x256x128xf32, #tpu.memory_space<hbm>>
    %dma_wait3A_457 = tpu.memref_squeeze %dma_wait3A_456 : memref<1x256x128xf32, #tpu.memory_space<hbm>> -> memref<256x128xf32, #tpu.memory_space<hbm>>
    %dma_wait3A_458 = arith.constant 0 : i32
    %dma_wait3A_459 = tpu.memref_slice %arg3[%add3A_104, %mul3A_106, %dma_wait3A_458] : memref<128x2048x128xf32, #tpu.memory_space<hbm>> -> memref<1x256x128xf32, #tpu.memory_space<hbm>>
    %dma_wait3A_460 = tpu.memref_squeeze %dma_wait3A_459 : memref<1x256x128xf32, #tpu.memory_space<hbm>> -> memref<256x128xf32, #tpu.memory_space<hbm>>
    tpu.wait_dma2 semaphore(%arg5 : memref<!tpu.dma_semaphore, #tpu.memory_space<semaphore_mem>>) src(%arg4 : memref<256x128xf32, #tpu.memory_space<vmem>>) dst(%dma_wait3A_460 : memref<256x128xf32, #tpu.memory_space<hbm>>)
    %dma_wait3A_461 = arith.constant 0 : i32
    %dma_wait3A_462 = tpu.memref_slice %arg3[%add3A_108, %mul3A_110, %dma_wait3A_461] : memref<128x2048x128xf32, #tpu.memory_space<hbm>> -> memref<1x256x128xf32, #tpu.memory_space<hbm>>
    %dma_wait3A_463 = tpu.memref_squeeze %dma_wait3A_462 : memref<1x256x128xf32, #tpu.memory_space<hbm>> -> memref<256x128xf32, #tpu.memory_space<hbm>>
    %dma_wait3A_464 = arith.constant 0 : i32
    %dma_wait3A_465 = tpu.memref_slice %arg3[%add3A_108, %mul3A_110, %dma_wait3A_464] : memref<128x2048x128xf32, #tpu.memory_space<hbm>> -> memref<1x256x128xf32, #tpu.memory_space<hbm>>
    %dma_wait3A_466 = tpu.memref_squeeze %dma_wait3A_465 : memref<1x256x128xf32, #tpu.memory_space<hbm>> -> memref<256x128xf32, #tpu.memory_space<hbm>>
    tpu.wait_dma2 semaphore(%arg5 : memref<!tpu.dma_semaphore, #tpu.memory_space<semaphore_mem>>) src(%arg4 : memref<256x128xf32, #tpu.memory_space<vmem>>) dst(%dma_wait3A_466 : memref<256x128xf32, #tpu.memory_space<hbm>>)
    %dma_wait3A_467 = arith.constant 0 : i32
    %dma_wait3A_468 = tpu.memref_slice %arg3[%add3A_112, %mul3A_114, %dma_wait3A_467] : memref<128x2048x128xf32, #tpu.memory_space<hbm>> -> memref<1x256x128xf32, #tpu.memory_space<hbm>>
    %dma_wait3A_469 = tpu.memref_squeeze %dma_wait3A_468 : memref<1x256x128xf32, #tpu.memory_space<hbm>> -> memref<256x128xf32, #tpu.memory_space<hbm>>
    %dma_wait3A_470 = arith.constant 0 : i32
    %dma_wait3A_471 = tpu.memref_slice %arg3[%add3A_112, %mul3A_114, %dma_wait3A_470] : memref<128x2048x128xf32, #tpu.memory_space<hbm>> -> memref<1x256x128xf32, #tpu.memory_space<hbm>>
    %dma_wait3A_472 = tpu.memref_squeeze %dma_wait3A_471 : memref<1x256x128xf32, #tpu.memory_space<hbm>> -> memref<256x128xf32, #tpu.memory_space<hbm>>
    tpu.wait_dma2 semaphore(%arg5 : memref<!tpu.dma_semaphore, #tpu.memory_space<semaphore_mem>>) src(%arg4 : memref<256x128xf32, #tpu.memory_space<vmem>>) dst(%dma_wait3A_472 : memref<256x128xf32, #tpu.memory_space<hbm>>)
    %dma_wait3A_473 = arith.constant 0 : i32
    %dma_wait3A_474 = tpu.memref_slice %arg3[%add3A_116, %mul3A_118, %dma_wait3A_473] : memref<128x2048x128xf32, #tpu.memory_space<hbm>> -> memref<1x256x128xf32, #tpu.memory_space<hbm>>
    %dma_wait3A_475 = tpu.memref_squeeze %dma_wait3A_474 : memref<1x256x128xf32, #tpu.memory_space<hbm>> -> memref<256x128xf32, #tpu.memory_space<hbm>>
    %dma_wait3A_476 = arith.constant 0 : i32
    %dma_wait3A_477 = tpu.memref_slice %arg3[%add3A_116, %mul3A_118, %dma_wait3A_476] : memref<128x2048x128xf32, #tpu.memory_space<hbm>> -> memref<1x256x128xf32, #tpu.memory_space<hbm>>
    %dma_wait3A_478 = tpu.memref_squeeze %dma_wait3A_477 : memref<1x256x128xf32, #tpu.memory_space<hbm>> -> memref<256x128xf32, #tpu.memory_space<hbm>>
    tpu.wait_dma2 semaphore(%arg5 : memref<!tpu.dma_semaphore, #tpu.memory_space<semaphore_mem>>) src(%arg4 : memref<256x128xf32, #tpu.memory_space<vmem>>) dst(%dma_wait3A_478 : memref<256x128xf32, #tpu.memory_space<hbm>>)
    %dma_wait3A_479 = arith.constant 0 : i32
    %dma_wait3A_480 = tpu.memref_slice %arg3[%add3A_120, %mul3A_122, %dma_wait3A_479] : memref<128x2048x128xf32, #tpu.memory_space<hbm>> -> memref<1x256x128xf32, #tpu.memory_space<hbm>>
    %dma_wait3A_481 = tpu.memref_squeeze %dma_wait3A_480 : memref<1x256x128xf32, #tpu.memory_space<hbm>> -> memref<256x128xf32, #tpu.memory_space<hbm>>
    %dma_wait3A_482 = arith.constant 0 : i32
    %dma_wait3A_483 = tpu.memref_slice %arg3[%add3A_120, %mul3A_122, %dma_wait3A_482] : memref<128x2048x128xf32, #tpu.memory_space<hbm>> -> memref<1x256x128xf32, #tpu.memory_space<hbm>>
    %dma_wait3A_484 = tpu.memref_squeeze %dma_wait3A_483 : memref<1x256x128xf32, #tpu.memory_space<hbm>> -> memref<256x128xf32, #tpu.memory_space<hbm>>
    tpu.wait_dma2 semaphore(%arg5 : memref<!tpu.dma_semaphore, #tpu.memory_space<semaphore_mem>>) src(%arg4 : memref<256x128xf32, #tpu.memory_space<vmem>>) dst(%dma_wait3A_484 : memref<256x128xf32, #tpu.memory_space<hbm>>)
    %dma_wait3A_485 = arith.constant 0 : i32
    %dma_wait3A_486 = tpu.memref_slice %arg3[%add3A_124, %mul3A_126, %dma_wait3A_485] : memref<128x2048x128xf32, #tpu.memory_space<hbm>> -> memref<1x256x128xf32, #tpu.memory_space<hbm>>
    %dma_wait3A_487 = tpu.memref_squeeze %dma_wait3A_486 : memref<1x256x128xf32, #tpu.memory_space<hbm>> -> memref<256x128xf32, #tpu.memory_space<hbm>>
    %dma_wait3A_488 = arith.constant 0 : i32
    %dma_wait3A_489 = tpu.memref_slice %arg3[%add3A_124, %mul3A_126, %dma_wait3A_488] : memref<128x2048x128xf32, #tpu.memory_space<hbm>> -> memref<1x256x128xf32, #tpu.memory_space<hbm>>
    %dma_wait3A_490 = tpu.memref_squeeze %dma_wait3A_489 : memref<1x256x128xf32, #tpu.memory_space<hbm>> -> memref<256x128xf32, #tpu.memory_space<hbm>>
    tpu.wait_dma2 semaphore(%arg5 : memref<!tpu.dma_semaphore, #tpu.memory_space<semaphore_mem>>) src(%arg4 : memref<256x128xf32, #tpu.memory_space<vmem>>) dst(%dma_wait3A_490 : memref<256x128xf32, #tpu.memory_space<hbm>>)
    %dma_wait3A_491 = arith.constant 0 : i32
    %dma_wait3A_492 = tpu.memref_slice %arg3[%add3A_128, %mul3A_130, %dma_wait3A_491] : memref<128x2048x128xf32, #tpu.memory_space<hbm>> -> memref<1x256x128xf32, #tpu.memory_space<hbm>>
    %dma_wait3A_493 = tpu.memref_squeeze %dma_wait3A_492 : memref<1x256x128xf32, #tpu.memory_space<hbm>> -> memref<256x128xf32, #tpu.memory_space<hbm>>
    %dma_wait3A_494 = arith.constant 0 : i32
    %dma_wait3A_495 = tpu.memref_slice %arg3[%add3A_128, %mul3A_130, %dma_wait3A_494] : memref<128x2048x128xf32, #tpu.memory_space<hbm>> -> memref<1x256x128xf32, #tpu.memory_space<hbm>>
    %dma_wait3A_496 = tpu.memref_squeeze %dma_wait3A_495 : memref<1x256x128xf32, #tpu.memory_space<hbm>> -> memref<256x128xf32, #tpu.memory_space<hbm>>
    tpu.wait_dma2 semaphore(%arg5 : memref<!tpu.dma_semaphore, #tpu.memory_space<semaphore_mem>>) src(%arg4 : memref<256x128xf32, #tpu.memory_space<vmem>>) dst(%dma_wait3A_496 : memref<256x128xf32, #tpu.memory_space<hbm>>)
    %dma_wait3A_497 = arith.constant 0 : i32
    %dma_wait3A_498 = tpu.memref_slice %arg3[%add3A_132, %mul3A_134, %dma_wait3A_497] : memref<128x2048x128xf32, #tpu.memory_space<hbm>> -> memref<1x256x128xf32, #tpu.memory_space<hbm>>
    %dma_wait3A_499 = tpu.memref_squeeze %dma_wait3A_498 : memref<1x256x128xf32, #tpu.memory_space<hbm>> -> memref<256x128xf32, #tpu.memory_space<hbm>>
    %dma_wait3A_500 = arith.constant 0 : i32
    %dma_wait3A_501 = tpu.memref_slice %arg3[%add3A_132, %mul3A_134, %dma_wait3A_500] : memref<128x2048x128xf32, #tpu.memory_space<hbm>> -> memref<1x256x128xf32, #tpu.memory_space<hbm>>
    %dma_wait3A_502 = tpu.memref_squeeze %dma_wait3A_501 : memref<1x256x128xf32, #tpu.memory_space<hbm>> -> memref<256x128xf32, #tpu.memory_space<hbm>>
    tpu.wait_dma2 semaphore(%arg5 : memref<!tpu.dma_semaphore, #tpu.memory_space<semaphore_mem>>) src(%arg4 : memref<256x128xf32, #tpu.memory_space<vmem>>) dst(%dma_wait3A_502 : memref<256x128xf32, #tpu.memory_space<hbm>>)
    %dma_wait3A_503 = arith.constant 0 : i32
    %dma_wait3A_504 = tpu.memref_slice %arg3[%add3A_136, %mul3A_138, %dma_wait3A_503] : memref<128x2048x128xf32, #tpu.memory_space<hbm>> -> memref<1x256x128xf32, #tpu.memory_space<hbm>>
    %dma_wait3A_505 = tpu.memref_squeeze %dma_wait3A_504 : memref<1x256x128xf32, #tpu.memory_space<hbm>> -> memref<256x128xf32, #tpu.memory_space<hbm>>
    %dma_wait3A_506 = arith.constant 0 : i32
    %dma_wait3A_507 = tpu.memref_slice %arg3[%add3A_136, %mul3A_138, %dma_wait3A_506] : memref<128x2048x128xf32, #tpu.memory_space<hbm>> -> memref<1x256x128xf32, #tpu.memory_space<hbm>>
    %dma_wait3A_508 = tpu.memref_squeeze %dma_wait3A_507 : memref<1x256x128xf32, #tpu.memory_space<hbm>> -> memref<256x128xf32, #tpu.memory_space<hbm>>
    tpu.wait_dma2 semaphore(%arg5 : memref<!tpu.dma_semaphore, #tpu.memory_space<semaphore_mem>>) src(%arg4 : memref<256x128xf32, #tpu.memory_space<vmem>>) dst(%dma_wait3A_508 : memref<256x128xf32, #tpu.memory_space<hbm>>)
    %dma_wait3A_509 = arith.constant 0 : i32
    %dma_wait3A_510 = tpu.memref_slice %arg3[%add3A_140, %mul3A_142, %dma_wait3A_509] : memref<128x2048x128xf32, #tpu.memory_space<hbm>> -> memref<1x256x128xf32, #tpu.memory_space<hbm>>
    %dma_wait3A_511 = tpu.memref_squeeze %dma_wait3A_510 : memref<1x256x128xf32, #tpu.memory_space<hbm>> -> memref<256x128xf32, #tpu.memory_space<hbm>>
    %dma_wait3A_512 = arith.constant 0 : i32
    %dma_wait3A_513 = tpu.memref_slice %arg3[%add3A_140, %mul3A_142, %dma_wait3A_512] : memref<128x2048x128xf32, #tpu.memory_space<hbm>> -> memref<1x256x128xf32, #tpu.memory_space<hbm>>
    %dma_wait3A_514 = tpu.memref_squeeze %dma_wait3A_513 : memref<1x256x128xf32, #tpu.memory_space<hbm>> -> memref<256x128xf32, #tpu.memory_space<hbm>>
    tpu.wait_dma2 semaphore(%arg5 : memref<!tpu.dma_semaphore, #tpu.memory_space<semaphore_mem>>) src(%arg4 : memref<256x128xf32, #tpu.memory_space<vmem>>) dst(%dma_wait3A_514 : memref<256x128xf32, #tpu.memory_space<hbm>>)
    %dma_wait3A_515 = arith.constant 0 : i32
    %dma_wait3A_516 = tpu.memref_slice %arg3[%add3A_144, %mul3A_146, %dma_wait3A_515] : memref<128x2048x128xf32, #tpu.memory_space<hbm>> -> memref<1x256x128xf32, #tpu.memory_space<hbm>>
    %dma_wait3A_517 = tpu.memref_squeeze %dma_wait3A_516 : memref<1x256x128xf32, #tpu.memory_space<hbm>> -> memref<256x128xf32, #tpu.memory_space<hbm>>
    %dma_wait3A_518 = arith.constant 0 : i32
    %dma_wait3A_519 = tpu.memref_slice %arg3[%add3A_144, %mul3A_146, %dma_wait3A_518] : memref<128x2048x128xf32, #tpu.memory_space<hbm>> -> memref<1x256x128xf32, #tpu.memory_space<hbm>>
    %dma_wait3A_520 = tpu.memref_squeeze %dma_wait3A_519 : memref<1x256x128xf32, #tpu.memory_space<hbm>> -> memref<256x128xf32, #tpu.memory_space<hbm>>
    tpu.wait_dma2 semaphore(%arg5 : memref<!tpu.dma_semaphore, #tpu.memory_space<semaphore_mem>>) src(%arg4 : memref<256x128xf32, #tpu.memory_space<vmem>>) dst(%dma_wait3A_520 : memref<256x128xf32, #tpu.memory_space<hbm>>)
    %dma_wait3A_521 = arith.constant 0 : i32
    %dma_wait3A_522 = tpu.memref_slice %arg3[%add3A_148, %mul3A_150, %dma_wait3A_521] : memref<128x2048x128xf32, #tpu.memory_space<hbm>> -> memref<1x256x128xf32, #tpu.memory_space<hbm>>
    %dma_wait3A_523 = tpu.memref_squeeze %dma_wait3A_522 : memref<1x256x128xf32, #tpu.memory_space<hbm>> -> memref<256x128xf32, #tpu.memory_space<hbm>>
    %dma_wait3A_524 = arith.constant 0 : i32
    %dma_wait3A_525 = tpu.memref_slice %arg3[%add3A_148, %mul3A_150, %dma_wait3A_524] : memref<128x2048x128xf32, #tpu.memory_space<hbm>> -> memref<1x256x128xf32, #tpu.memory_space<hbm>>
    %dma_wait3A_526 = tpu.memref_squeeze %dma_wait3A_525 : memref<1x256x128xf32, #tpu.memory_space<hbm>> -> memref<256x128xf32, #tpu.memory_space<hbm>>
    tpu.wait_dma2 semaphore(%arg5 : memref<!tpu.dma_semaphore, #tpu.memory_space<semaphore_mem>>) src(%arg4 : memref<256x128xf32, #tpu.memory_space<vmem>>) dst(%dma_wait3A_526 : memref<256x128xf32, #tpu.memory_space<hbm>>)
    %dma_wait3A_527 = arith.constant 0 : i32
    %dma_wait3A_528 = tpu.memref_slice %arg3[%add3A_152, %mul3A_154, %dma_wait3A_527] : memref<128x2048x128xf32, #tpu.memory_space<hbm>> -> memref<1x256x128xf32, #tpu.memory_space<hbm>>
    %dma_wait3A_529 = tpu.memref_squeeze %dma_wait3A_528 : memref<1x256x128xf32, #tpu.memory_space<hbm>> -> memref<256x128xf32, #tpu.memory_space<hbm>>
    %dma_wait3A_530 = arith.constant 0 : i32
    %dma_wait3A_531 = tpu.memref_slice %arg3[%add3A_152, %mul3A_154, %dma_wait3A_530] : memref<128x2048x128xf32, #tpu.memory_space<hbm>> -> memref<1x256x128xf32, #tpu.memory_space<hbm>>
    %dma_wait3A_532 = tpu.memref_squeeze %dma_wait3A_531 : memref<1x256x128xf32, #tpu.memory_space<hbm>> -> memref<256x128xf32, #tpu.memory_space<hbm>>
    tpu.wait_dma2 semaphore(%arg5 : memref<!tpu.dma_semaphore, #tpu.memory_space<semaphore_mem>>) src(%arg4 : memref<256x128xf32, #tpu.memory_space<vmem>>) dst(%dma_wait3A_532 : memref<256x128xf32, #tpu.memory_space<hbm>>)
    %dma_wait3A_533 = arith.constant 0 : i32
    %dma_wait3A_534 = tpu.memref_slice %arg3[%add3A_156, %mul3A_158, %dma_wait3A_533] : memref<128x2048x128xf32, #tpu.memory_space<hbm>> -> memref<1x256x128xf32, #tpu.memory_space<hbm>>
    %dma_wait3A_535 = tpu.memref_squeeze %dma_wait3A_534 : memref<1x256x128xf32, #tpu.memory_space<hbm>> -> memref<256x128xf32, #tpu.memory_space<hbm>>
    %dma_wait3A_536 = arith.constant 0 : i32
    %dma_wait3A_537 = tpu.memref_slice %arg3[%add3A_156, %mul3A_158, %dma_wait3A_536] : memref<128x2048x128xf32, #tpu.memory_space<hbm>> -> memref<1x256x128xf32, #tpu.memory_space<hbm>>
    %dma_wait3A_538 = tpu.memref_squeeze %dma_wait3A_537 : memref<1x256x128xf32, #tpu.memory_space<hbm>> -> memref<256x128xf32, #tpu.memory_space<hbm>>
    tpu.wait_dma2 semaphore(%arg5 : memref<!tpu.dma_semaphore, #tpu.memory_space<semaphore_mem>>) src(%arg4 : memref<256x128xf32, #tpu.memory_space<vmem>>) dst(%dma_wait3A_538 : memref<256x128xf32, #tpu.memory_space<hbm>>)
    %dma_wait3A_539 = arith.constant 0 : i32
    %dma_wait3A_540 = tpu.memref_slice %arg3[%add3A_160, %mul3A_162, %dma_wait3A_539] : memref<128x2048x128xf32, #tpu.memory_space<hbm>> -> memref<1x256x128xf32, #tpu.memory_space<hbm>>
    %dma_wait3A_541 = tpu.memref_squeeze %dma_wait3A_540 : memref<1x256x128xf32, #tpu.memory_space<hbm>> -> memref<256x128xf32, #tpu.memory_space<hbm>>
    %dma_wait3A_542 = arith.constant 0 : i32
    %dma_wait3A_543 = tpu.memref_slice %arg3[%add3A_160, %mul3A_162, %dma_wait3A_542] : memref<128x2048x128xf32, #tpu.memory_space<hbm>> -> memref<1x256x128xf32, #tpu.memory_space<hbm>>
    %dma_wait3A_544 = tpu.memref_squeeze %dma_wait3A_543 : memref<1x256x128xf32, #tpu.memory_space<hbm>> -> memref<256x128xf32, #tpu.memory_space<hbm>>
    tpu.wait_dma2 semaphore(%arg5 : memref<!tpu.dma_semaphore, #tpu.memory_space<semaphore_mem>>) src(%arg4 : memref<256x128xf32, #tpu.memory_space<vmem>>) dst(%dma_wait3A_544 : memref<256x128xf32, #tpu.memory_space<hbm>>)
    return
  }
}

</mosaic_0001>

<sc_bundles>
// kernel: kernel.3.cloned.1.call-start
scs
__scs_entry_jumppad:
0x0: {  	(pc) =	sbr.rel $0x88, $3  }
0x1: {  	(tag) =	ssettag $0x0;
	lr =	simm.s32 $0x1  }
0x2: {  	[smem:$0x3FA0] =	sst lr;
	_ =	strace $0xD0000000  }
0x3: {  	_ = 	snop  }
0x4: {  	_ = 	snop  }
0x5: {  	_ = 	snop  }
0x6: {  	_ = 	snop  }
0x7: {  	_ = 	snop  }
__scs_overlays_trampoline_lowered:
0x8: {  	[smem:$0x3FAF] =	sst s0  }
0x9: {  	[smem:$0x3FB0] =	sst s1  }
0xa: {  	[smem:$0x3FB1] =	sst s2  }
0xb: {  	[smem:$0x3FB2] =	sst s3  }
0xc: {  	[smem:$0x3FB3] =	sst s4  }
0xd: {  	[smem:$0x3FB4] =	sst s5  }
0xe: {  	[smem:$0x3FB5] =	sst s6  }
0xf: {  	[smem:$0x3FB6] =	sst s7  }
0x10: {  	[smem:$0x3FB7] =	sst s8  }
0x11: {  	[smem:$0x3FB8] =	sst s9;
	s0 =	simm.s32 @!p0 $0x0  }
0x12: {  	s1 =	sld [smem:$0x3F9E];
	s0 =	simm.s32 @p0 $0x1  }
0x13: {  	[smem:$0x3FB9] =	sst s0;
	s0 =	simm.s32 @!p1 $0x0  }
0x14: {  	s2 =	sld [smem:$0x3F9D];
	s0 =	simm.s32 @p1 $0x1  }
0x15: {  	[smem:$0x3FBA] =	sst s0;
	s0 =	simm.s32 @!p2 $0x0  }
0x16: {  	s3 =	sld [smem:$0x3FDB];
	s0 =	simm.s32 @p2 $0x1  }
0x17: {  	s4 =	simm.s32 $0x1BF5;
	[smem:$0x3FBC] =	sst s0  }
0x18: {  	s0 =	sld [smem:$0x3F9F];
	_ =	swait.ge [sflag:s4], $0x0  }
0x19: {  	s7 =	sld [smem:$0x3FA0]  }
0x1a: {  	s8 =	sadd.s32 $0xFFFFE003, lr  }
0x1b: {  	s9 =	sadd.s32 $0xFFFFFEF7, lr;
	s5 =	simm.s32 $0xFFFFFFFF;
	p2 =	slt.u32 s8, $0xFFFFF086  }
0x1c: {  	p1 =	slt.u32 s9, $0xF7A;
	s5 =	simm.s32 @!p2 $0x0  }
0x1d: {  	s5 =	simm.s32 @p1 $0x1;
	p0 =	seq.s32 s7, s2  }
0x1e: {  	s7 =	smul.u32 @!p0 $0xF7A, s2;
	p2 =	seq.s32 @!p0 s5, $0x0  }
0x1f: {  	s9 =	smul.u32 $0xF7A, s1;
	s8 =	simm.s32 @!p0 $0x1BF5;
	p2 =	por !p2, p0  }
0x20: {  	[sflag:s8] =	ssyncset.s32 @!p0 $0xFFFFF086;
	s6 =	sadd.s32 @!p0 s3, s7;
	s7 =	simm.s32 @!p0 $0x108  }
0x21: {  	s3 =	sadd.s32 s3, s9;
	s6 =	sadd.s32 @!p0 $0x88, s6;
	s7 =	simm.s32 @p2 $0x1082  }
0x22: {  	[simem:s7], [sflag:s8] =	dma.local @!p0 [hbm:s6], $0xF7A  }
0x23: {  	s9 =	sor.u32 $0xD0000000, s2;
	s6 =	simm.s32 $0x108;
	_ =	swait.ge @!p0 [sflag:s8], $0x0  }
0x24: {  	s3 =	sadd.s32 $0x88, s3;
	s6 =	simm.s32 @!p1 $0x1082;
	[sflag:s4] =	ssyncset.s32 $0xFFFFF086  }
0x25: {  	[simem:s6], [sflag:s4] =	dma.local [hbm:s3], $0xF7A  }
0x26: {  	[smem:$0x3FA0] =	sst s1;
	(tag) =	ssettag s2;
	_ =	strace s9  }
0x27: {  	s1 =	sld [smem:$0x3FB0]  }
0x28: {  	s2 =	sld [smem:$0x3FB1]  }
0x29: {  	s4 =	sld [smem:$0x3FB3]  }
0x2a: {  	p0 =	seq.s32 s5, $0x0;
	s5 =	sld [smem:$0x3FB4]  }
0x2b: {  	s6 =	sld [smem:$0x3FB5]  }
0x2c: {  	s7 =	sld [smem:$0x3FB6]  }
0x2d: {  	s3 =	simm.s32 $0x108;
	s8 =	sld [smem:$0x3FB7]  }
0x2e: {  	s3 =	simm.s32 @!p0 $0x1082;
	s9 =	sld [smem:$0x3FB8]  }
0x2f: {  	lr =	sadd.s32 s0, s3;
	s0 =	sld [smem:$0x3FAF]  }
0x30: {  	s3 =	sld [smem:$0x3FB2]  }
0x31: {  	[smem:$0x3FBB] =	sst s10  }
0x32: {  	s10 =	sld [smem:$0x3FB9];
	_ =	sdelay $0x3  }
0x33: {  	p0 =	seq.s32 s10, $0x1;
	s10 =	sld [smem:$0x3FBB];
	_ =	sdelay $0x3  }
0x34: {  	[smem:$0x3FBB] =	sst s10  }
0x35: {  	s10 =	sld [smem:$0x3FBA];
	_ =	sdelay $0x3  }
0x36: {  	p1 =	seq.s32 s10, $0x1;
	s10 =	sld [smem:$0x3FBB];
	_ =	sdelay $0x3  }
0x37: {  	[smem:$0x3FBB] =	sst s10  }
0x38: {  	s10 =	sld [smem:$0x3FBC]  }
0x39: {  	_ = 	snop;
	(pc) =	sbr.ind lr, $3  }
0x3a: {  	_ = 	snop  }
0x3b: {  	_ = 	snop  }
0x3c: {  	p2 =	seq.s32 s10, $0x1;
	s10 =	sld [smem:$0x3FBB]  }
0x3d: {  	_ =	shalt  }
0x3e: {  	_ =	shalt  }
0x3f: {  	_ =	shalt  }
0x40: {  	_ =	shalt  }
0x41: {  	_ =	shalt  }
0x42: {  	_ =	shalt  }
0x43: {  	_ =	shalt  }
0x44: {  	_ =	shalt  }
0x45: {  	_ =	shalt  }
0x46: {  	_ =	shalt  }
0x47: {  	_ =	shalt  }
0x48: {  	_ =	shalt  }
0x49: {  	_ =	shalt  }
0x4a: {  	_ =	shalt  }
0x4b: {  	_ =	shalt  }
0x4c: {  	_ =	shalt  }
0x4d: {  	_ =	shalt  }
0x4e: {  	_ =	shalt  }
0x4f: {  	_ =	shalt  }
0x50: {  	_ =	shalt  }
0x51: {  	_ =	shalt  }
0x52: {  	_ =	shalt  }
0x53: {  	_ =	shalt  }
0x54: {  	_ =	shalt  }
0x55: {  	_ =	shalt  }
0x56: {  	_ =	shalt  }
0x57: {  	_ =	shalt  }
0x58: {  	_ =	shalt  }
0x59: {  	_ =	shalt  }
0x5a: {  	_ =	shalt  }
0x5b: {  	_ =	shalt  }
0x5c: {  	_ =	shalt  }
0x5d: {  	_ =	shalt  }
0x5e: {  	_ =	shalt  }
0x5f: {  	_ =	shalt  }
0x60: {  	_ =	shalt  }
0x61: {  	_ =	shalt  }
0x62: {  	_ =	shalt  }
0x63: {  	_ =	shalt  }
0x64: {  	_ =	shalt  }
0x65: {  	_ =	shalt  }
0x66: {  	_ =	shalt  }
0x67: {  	_ =	shalt  }
0x68: {  	_ =	shalt  }
0x69: {  	_ =	shalt  }
0x6a: {  	_ =	shalt  }
0x6b: {  	_ =	shalt  }
0x6c: {  	_ =	shalt  }
0x6d: {  	_ =	shalt  }
0x6e: {  	_ =	shalt  }
0x6f: {  	_ =	shalt  }
0x70: {  	_ =	shalt  }
0x71: {  	_ =	shalt  }
0x72: {  	_ =	shalt  }
0x73: {  	_ =	shalt  }
0x74: {  	_ =	shalt  }
0x75: {  	_ =	shalt  }
0x76: {  	_ =	shalt  }
0x77: {  	_ =	shalt  }
0x78: {  	_ =	shalt  }
0x79: {  	_ =	shalt  }
0x7a: {  	_ =	shalt  }
0x7b: {  	_ =	shalt  }
0x7c: {  	_ =	shalt  }
0x7d: {  	_ =	shalt  }
0x7e: {  	_ =	shalt  }
0x7f: {  	_ =	shalt  }
0x80: {  	_ =	shalt  }
0x81: {  	_ =	shalt  }
0x82: {  	_ =	shalt  }
0x83: {  	_ =	shalt  }
0x84: {  	_ =	shalt  }
0x85: {  	_ =	shalt  }
0x86: {  	_ =	shalt  }
0x87: {  	_ =	shalt  }
.Lfunc_end0:
.L_simem_size_0:
called_computation_lowered:
.L_overlay_start_0:
0x88: {  	s2 =	sld [smem:$0x3FD9]  }
0x89: {  	s3 =	sld [smem:$0x3FFE];
	_ =	sdelay $0x1  }
0x8a: {  	s1 =	srdreg.scid  }
0x8b: {  	s0 =	sand.u32 $0x1, s1  }
0x8c: {  	s18 =	sshll.u32 s0, $0xA;
	s2 =	sadd.s32 s3, s2  }
0x8d: {  	s2 =	sadd.s32 s2, s18  }
0x8e: {  	[smem:$0x3FC7] =	sst s2  }
0x8f: {  	_ = 	snop  }
0x90: {  	s2 =	sld [smem:$0x3FC9]  }
0x91: {  	s19 =	sld [smem:$0x3FD0];
	(tm) =	ssettm $0x1  }
0x92: {  	s4 =	sld [smem:$0x3FFB];
	_ =	sdelay $0x3  }
0x93: {  	_ =	strace s4  }
0x94: {  	s4 =	sld [smem:$0x3FFC];
	_ =	sdelay $0x3  }
0x95: {  	_ =	strace s4  }
0x96: {  	s4 =	sld [smem:$0x3FFD];
	_ =	sdelay $0x3  }
0x97: {  	_ =	strace s4  }
0x98: {  	_ =	strace $0x8FFFFFFF  }
0x99: {  	s20 =	sld [smem:$0x3FDB];
	_ =	sdelay $0x1  }
0x9a: {  	s5 =	simm.s32 $_scs_section_size  }
0x9b: {  	s6 =	simm.s32 $_size__tile_overlayer_lowered;
	s7 =	simm.s32 $_tile_overlayer_lowered  }
0x9c: {  	s23 =	simm.s32 $0x1BFF;
	s22 =	sshll.u32 s7, $0x1;
	s4 =	sadd.s32 s5, s20  }
0x9d: {  	s8 =	simm.s32 $0x0;
	s21 =	sshll.u32 s6, $0x1;
	s6 =	sadd.s32 s22, s4  }
0x9e: {  	[timem:s8], [sflag:s23] =	dma.local [hbm:s6], s21  }
0x9f: {  	_ =	swait.ge [sflag:s23], s21  }
0xa0: {  	s5 =	ssub.s32 $0x0, s21;
	[sflag:s23] =	ssyncset.done $0x0  }
0xa1: {  	[sflag:s23] =	ssyncadd.s32 s5;
	_ =	sdelay $0x1  }
0xa2: {  	s24 =	simm.s32 $0x1B8B  }
0xa3: {  	_ =	swait.ge [sflag:s24], $0x1  }
0xa4: {  	[sflag:s24] =	ssyncset.done $0x0  }
0xa5: {  	s25 =	simm.s32 $0x1B8E;
	[sflag:s24] =	ssyncadd.s32 $0xFFFFFFFF  }
0xa6: {  	s26 =	simm.s32 $execute0_lowered;
	[smem:$0x3FD2] =	sst s25  }
0xa7: {  	s5 =	sshll.u32 s26, $0x1;
	_ =	strace $0x80000046;
	[dreg:$0x1] =	wrdreg $0xFFFFFFFF  }
0xa8: {  	s28 =	simm.s32 $_size_execute0_lowered;
	s4 =	sadd.s32 s4, s5;
	[dreg:$0x0] =	wrdreg $0x0  }
0xa9: {  	s5 =	sshll.u32 s28, $0x1;
	[dreg:$0x2] =	wrdreg s4  }
0xaa: {  	[dreg:$0x3] =	wrdreg s5  }
0xab: {  	[dreg:$0x4] =	wrdreg $0xC0  }
0xac: {  	_ =	task [dreg:s8], $0x5FFFF  }
0xad: {  	[dreg:$0x1] =	wrdreg $0xFFFFFFFF  }
0xae: {  	[dreg:$0x0] =	wrdreg $0x60  }
0xaf: {  	[dreg:$0x2] =	wrdreg s2  }
0xb0: {  	[dreg:$0x3] =	wrdreg s19  }
0xb1: {  	[dreg:$0x4] =	wrdreg $0x9  }
0xb2: {  	_ =	task.clear_ibuf [dreg:s8], $0x5FFFF;
	_ =	strace $0x90000046  }
0xb3: {  	s29 =	simm.s32 $0x9;
	_ =	strace $0x80000048  }
0xb4: {  	_ =	swait.ge [sflag:s29], $0x1  }
0xb5: {  	[sflag:s29] =	ssyncadd.s32 $0xFFFFFFFF  }
0xb6: {  	_ =	strace $0x90000048  }
0xb7: {  	_ =	sfence  }
0xb8: {  	s30 =	sld [smem:$0x0];
	_ =	sdelay $0x2  }
0xb9: {  	s31 =	sshll.u32 s1, $0xD;
	s1 =	sshrl.u32 s1, $0x2  }
0xba: {  	s3 =	sand.u32 $0x4000, s31;
	s1 =	sadd.s32 s1, s30  }
0xbb: {  	s0 =	sor.u32 s3, s0;
	s1 =	sshll.u32 s1, $0x11  }
0xbc: {  	s0 =	sor.u32 s1, s0  }
0xbd: {  	s0 =	sadd.s32 $0x8F2B, s0  }
0xbe: {  	[sflag:s0] =	ssyncadd.remote.s32 $0x1  }
0xbf: {  	_ =	sfence.sel $0xFFFF  }
0xc0: {  	[dreg:$0x0] =	wrdreg $0xFFFFFFFF;
	(pc) =	sbr.abs _section_cstart, $3  }
0xc1: {  	[dreg:$0x1] =	wrdreg $0xFFFFFFFF  }
0xc2: {  	_ =	task.clear_ibuf [dreg:s8], $0x2FFFF;
	_ =	strace $0x9FFFFFFF  }
0xc3: {  	(tm) =	ssettm $0x7FFFFFFF  }
tec
execute0_lowered:
.L_overlay_start_1:
0x0: {  	(tag) =	ssettag $0x1  }
0x1: {  	s3 =	stileid.u32  }
0x2: {  	s0 =	rddreg [dreg:$0x0];
	s1 =	srdreg.scid  }
0x3: {  	s4 =	rddreg [dreg:$0x1];
	p0 =	por $0x0, $0x0;
	s31 =	simm.s32 $0x2  }
0x4: {  	s2 =	sshll.u32 s3, $0x1;
	s1 =	sand.u32 $0x1, s1;
	s5 =	sshll.u32 s3, $0x12  }
0x5: {  	s3 =	simm.s32 $0x0;
	s2 =	sand.u32 $0x6, s2;
	s5 =	sand.u32 $0x300000, s5  }
0x6: {  	[smem:$0x7FF] =	sst s3;
	s2 =	sor.u32 s1, s2;
	s1 =	ssub.s32 $0x2, s1  }
0x7: {  	_ =	strace $0x80000047;
	s2 =	sshll.u32 s2, $0xC;
	s23 =	sshrl.u32 s1, $0x1  }
0x8: {  	s5 =	sor.u32 s5, s2;
	s0 =	sadd.s32 s0, s2;
	s1 =	ssub.s32 s1, s23  }
0x9: {  	s2 =	simm.s32 $0x1;
	s4 =	sadd.s32 s4, s5;
	[dreg:$0x3] =	wrdreg s0  }
0xa: {  	s26 =	smax.u32 s1, $0x1;
	s19 =	sadd.s32 $0x8000, s4;
	s20 =	sadd.s32 $0x10000, s4  }
0xb: {  	s21 =	sadd.s32 $0x18000, s4;
	s22 =	sadd.s32 $0x20000, s4;
	s24 =	sadd.s32 $0x28000, s4  }
0xc: {  	s25 =	sadd.s32 $0x30000, s4;
	s5 =	sadd.s32 $0x38000, s4;
	s6 =	sadd.s32 $0x40000, s4  }
0xd: {  	s7 =	sadd.s32 $0x48000, s4;
	s8 =	sadd.s32 $0x50000, s4;
	s9 =	sadd.s32 $0x58000, s4  }
0xe: {  	s10 =	sadd.s32 $0x60000, s4;
	s11 =	sadd.s32 $0x68000, s4;
	s12 =	sadd.s32 $0x70000, s4  }
0xf: {  	s13 =	sadd.s32 $0x78000, s4;
	s14 =	sadd.s32 $0x80000, s4;
	s0 =	rddreg [dreg:$0x3]  }
0x10: {  	s15 =	sadd.s32 $0x88000, s4;
	s16 =	sadd.s32 $0x90000, s4;
	[dreg:$0x4] =	wrdreg s19  }
0x11: {  	s17 =	sadd.s32 $0x98000, s4;
	s18 =	sadd.s32 $0xA0000, s4;
	[dreg:$0x5] =	wrdreg s20  }
0x12: {  	s23 =	sadd.s32 $0xC8000, s4;
	p1 =	sne.s32 s26, $0x1;
	[dreg:$0x6] =	wrdreg s21  }
.Ltmp0:
0x13: {  	s1 =	sadd.s32 $0xFFFFFFFF, s26;
	[dreg:$0x7] =	wrdreg s22;
	(pc) =	sbr.rel @!p1 .LBB2_3-.Ltmp0, $4  }
0x14: {  	s26 =	sadd.s32 $0xE0000, s4;
	s28 =	sadd.s32 $0xE8000, s4;
	[dreg:$0x8] =	wrdreg s24  }
0x15: {  	s29 =	sadd.s32 $0xF0000, s4;
	s30 =	sadd.s32 $0xF8000, s4;
	[dreg:$0x9] =	wrdreg s25  }
0x16: {  	s19 =	sadd.s32 $0xA8000, s4;
	s20 =	sadd.s32 $0xB0000, s4;
	s21 =	sadd.s32 $0xB8000, s4  }
0x17: {  	s22 =	sadd.s32 $0xC0000, s4;
	s24 =	sadd.s32 $0xD0000, s4;
	s25 =	sadd.s32 $0xD8000, s4  }
0x18: {  	[tilespmem:s3], [sflag:$0x2] =	stream.linear.gather [hbm4b:s0+s3], $0x8000, $0x38;
	[tilespmem:$0x8000] =	vst v63  }
0x19: {  	_ =	swait.ge [sflag:s31], $0x8000  }
0x1a: {  	[sflag:s31] =	ssyncset.done $0x0  }
0x1b: {  	[dreg:$0xa] =	wrdreg s1;
	[sflag:s31] =	ssyncadd.s32 $0xFFFF8000  }
0x1c: {  	[hbm4b:s4+s3] =	stream.linear.scatter [tilespmem:s3], [sflag:$0x1], $0x8000, $0x38;
	[tilespmem:$0x8000] =	vst v63  }
0x1d: {  	s0 =	rddreg [dreg:$0x4]  }
0x1e: {  	[hbm4b:s0+s3] =	stream.linear.scatter [tilespmem:s3], [sflag:$0x1], $0x8000, $0x38;
	[tilespmem:$0x8000] =	vst v63  }
0x1f: {  	s1 =	rddreg [dreg:$0x5]  }
0x20: {  	[hbm4b:s1+s3] =	stream.linear.scatter [tilespmem:s3], [sflag:$0x1], $0x8000, $0x38;
	[tilespmem:$0x8000] =	vst v63  }
0x21: {  	s0 =	rddreg [dreg:$0x6]  }
0x22: {  	[hbm4b:s0+s3] =	stream.linear.scatter [tilespmem:s3], [sflag:$0x1], $0x8000, $0x38;
	[tilespmem:$0x8000] =	vst v63  }
0x23: {  	s1 =	rddreg [dreg:$0x7]  }
0x24: {  	[hbm4b:s1+s3] =	stream.linear.scatter [tilespmem:s3], [sflag:$0x1], $0x8000, $0x38;
	[tilespmem:$0x8000] =	vst v63  }
0x25: {  	s0 =	rddreg [dreg:$0x8]  }
0x26: {  	[hbm4b:s0+s3] =	stream.linear.scatter [tilespmem:s3], [sflag:$0x1], $0x8000, $0x38;
	[tilespmem:$0x8000] =	vst v63  }
0x27: {  	s1 =	rddreg [dreg:$0x9]  }
0x28: {  	[hbm4b:s1+s3] =	stream.linear.scatter [tilespmem:s3], [sflag:$0x1], $0x8000, $0x38;
	[tilespmem:$0x8000] =	vst v63  }
0x29: {  	_ = 	snop  }
0x2a: {  	[hbm4b:s5+s3] =	stream.linear.scatter [tilespmem:s3], [sflag:$0x1], $0x8000, $0x38;
	[tilespmem:$0x8000] =	vst v63  }
0x2b: {  	_ = 	snop  }
0x2c: {  	[hbm4b:s6+s3] =	stream.linear.scatter [tilespmem:s3], [sflag:$0x1], $0x8000, $0x38;
	[tilespmem:$0x8000] =	vst v63  }
0x2d: {  	_ = 	snop  }
0x2e: {  	[hbm4b:s7+s3] =	stream.linear.scatter [tilespmem:s3], [sflag:$0x1], $0x8000, $0x38;
	[tilespmem:$0x8000] =	vst v63  }
0x2f: {  	_ = 	snop  }
0x30: {  	[hbm4b:s8+s3] =	stream.linear.scatter [tilespmem:s3], [sflag:$0x1], $0x8000, $0x38;
	[tilespmem:$0x8000] =	vst v63  }
0x31: {  	_ = 	snop  }
0x32: {  	[hbm4b:s9+s3] =	stream.linear.scatter [tilespmem:s3], [sflag:$0x1], $0x8000, $0x38;
	[tilespmem:$0x8000] =	vst v63  }
0x33: {  	_ = 	snop  }
0x34: {  	[hbm4b:s10+s3] =	stream.linear.scatter [tilespmem:s3], [sflag:$0x1], $0x8000, $0x38;
	[tilespmem:$0x8000] =	vst v63  }
0x35: {  	_ = 	snop  }
0x36: {  	[hbm4b:s11+s3] =	stream.linear.scatter [tilespmem:s3], [sflag:$0x1], $0x8000, $0x38;
	[tilespmem:$0x8000] =	vst v63  }
0x37: {  	_ = 	snop  }
0x38: {  	[hbm4b:s12+s3] =	stream.linear.scatter [tilespmem:s3], [sflag:$0x1], $0x8000, $0x38;
	[tilespmem:$0x8000] =	vst v63  }
0x39: {  	_ = 	snop  }
0x3a: {  	[hbm4b:s13+s3] =	stream.linear.scatter [tilespmem:s3], [sflag:$0x1], $0x8000, $0x38;
	[tilespmem:$0x8000] =	vst v63  }
0x3b: {  	_ = 	snop  }
0x3c: {  	[hbm4b:s14+s3] =	stream.linear.scatter [tilespmem:s3], [sflag:$0x1], $0x8000, $0x38;
	[tilespmem:$0x8000] =	vst v63  }
0x3d: {  	_ = 	snop  }
0x3e: {  	[hbm4b:s15+s3] =	stream.linear.scatter [tilespmem:s3], [sflag:$0x1], $0x8000, $0x38;
	[tilespmem:$0x8000] =	vst v63  }
0x3f: {  	_ = 	snop  }
0x40: {  	[hbm4b:s16+s3] =	stream.linear.scatter [tilespmem:s3], [sflag:$0x1], $0x8000, $0x38;
	[tilespmem:$0x8000] =	vst v63  }
0x41: {  	_ = 	snop  }
0x42: {  	[hbm4b:s17+s3] =	stream.linear.scatter [tilespmem:s3], [sflag:$0x1], $0x8000, $0x38;
	[tilespmem:$0x8000] =	vst v63  }
0x43: {  	_ = 	snop  }
0x44: {  	[hbm4b:s18+s3] =	stream.linear.scatter [tilespmem:s3], [sflag:$0x1], $0x8000, $0x38;
	[tilespmem:$0x8000] =	vst v63  }
0x45: {  	_ = 	snop  }
0x46: {  	[hbm4b:s19+s3] =	stream.linear.scatter [tilespmem:s3], [sflag:$0x1], $0x8000, $0x38;
	[tilespmem:$0x8000] =	vst v63  }
0x47: {  	_ = 	snop  }
0x48: {  	[hbm4b:s20+s3] =	stream.linear.scatter [tilespmem:s3], [sflag:$0x1], $0x8000, $0x38;
	[tilespmem:$0x8000] =	vst v63  }
0x49: {  	_ = 	snop  }
0x4a: {  	[hbm4b:s21+s3] =	stream.linear.scatter [tilespmem:s3], [sflag:$0x1], $0x8000, $0x38;
	[tilespmem:$0x8000] =	vst v63  }
0x4b: {  	_ = 	snop  }
0x4c: {  	[hbm4b:s22+s3] =	stream.linear.scatter [tilespmem:s3], [sflag:$0x1], $0x8000, $0x38;
	[tilespmem:$0x8000] =	vst v63  }
0x4d: {  	_ = 	snop  }
0x4e: {  	[hbm4b:s23+s3] =	stream.linear.scatter [tilespmem:s3], [sflag:$0x1], $0x8000, $0x38;
	[tilespmem:$0x8000] =	vst v63  }
0x4f: {  	_ = 	snop  }
0x50: {  	[hbm4b:s24+s3] =	stream.linear.scatter [tilespmem:s3], [sflag:$0x1], $0x8000, $0x38;
	[tilespmem:$0x8000] =	vst v63  }
0x51: {  	_ = 	snop  }
0x52: {  	[hbm4b:s25+s3] =	stream.linear.scatter [tilespmem:s3], [sflag:$0x1], $0x8000, $0x38;
	[tilespmem:$0x8000] =	vst v63  }
0x53: {  	_ = 	snop  }
0x54: {  	[hbm4b:s26+s3] =	stream.linear.scatter [tilespmem:s3], [sflag:$0x1], $0x8000, $0x38;
	[tilespmem:$0x8000] =	vst v63  }
0x55: {  	_ = 	snop  }
0x56: {  	[hbm4b:s28+s3] =	stream.linear.scatter [tilespmem:s3], [sflag:$0x1], $0x8000, $0x38;
	[tilespmem:$0x8000] =	vst v63  }
0x57: {  	_ = 	snop  }
0x58: {  	[hbm4b:s29+s3] =	stream.linear.scatter [tilespmem:s3], [sflag:$0x1], $0x8000, $0x38;
	[tilespmem:$0x8000] =	vst v63  }
0x59: {  	_ = 	snop  }
0x5a: {  	[hbm4b:s30+s3] =	stream.linear.scatter [tilespmem:s3], [sflag:$0x1], $0x8000, $0x38;
	[tilespmem:$0x8000] =	vst v63  }
0x5b: {  	_ =	swait.ge [sflag:s2], $0x8000  }
0x5c: {  	[sflag:s2] =	ssyncset.done $0x0  }
0x5d: {  	[sflag:s2] =	ssyncadd.s32 $0xFFFF8000  }
0x5e: {  	_ =	swait.ge [sflag:s2], $0x8000  }
0x5f: {  	[sflag:s2] =	ssyncset.done $0x0  }
0x60: {  	[sflag:s2] =	ssyncadd.s32 $0xFFFF8000  }
0x61: {  	_ =	swait.ge [sflag:s2], $0x8000  }
0x62: {  	[sflag:s2] =	ssyncset.done $0x0  }
0x63: {  	[sflag:s2] =	ssyncadd.s32 $0xFFFF8000  }
0x64: {  	_ =	swait.ge [sflag:s2], $0x8000  }
0x65: {  	[sflag:s2] =	ssyncset.done $0x0  }
0x66: {  	[sflag:s2] =	ssyncadd.s32 $0xFFFF8000  }
0x67: {  	_ =	swait.ge [sflag:s2], $0x8000  }
0x68: {  	[sflag:s2] =	ssyncset.done $0x0  }
0x69: {  	[sflag:s2] =	ssyncadd.s32 $0xFFFF8000  }
0x6a: {  	_ =	swait.ge [sflag:s2], $0x8000  }
0x6b: {  	[sflag:s2] =	ssyncset.done $0x0  }
0x6c: {  	[sflag:s2] =	ssyncadd.s32 $0xFFFF8000  }
0x6d: {  	_ =	swait.ge [sflag:s2], $0x8000  }
0x6e: {  	[sflag:s2] =	ssyncset.done $0x0  }
0x6f: {  	[sflag:s2] =	ssyncadd.s32 $0xFFFF8000  }
0x70: {  	_ =	swait.ge [sflag:s2], $0x8000  }
0x71: {  	[sflag:s2] =	ssyncset.done $0x0  }
0x72: {  	[sflag:s2] =	ssyncadd.s32 $0xFFFF8000  }
0x73: {  	_ =	swait.ge [sflag:s2], $0x8000  }
0x74: {  	[sflag:s2] =	ssyncset.done $0x0  }
0x75: {  	[sflag:s2] =	ssyncadd.s32 $0xFFFF8000  }
0x76: {  	_ =	swait.ge [sflag:s2], $0x8000  }
0x77: {  	[sflag:s2] =	ssyncset.done $0x0  }
0x78: {  	[sflag:s2] =	ssyncadd.s32 $0xFFFF8000  }
0x79: {  	_ =	swait.ge [sflag:s2], $0x8000  }
0x7a: {  	[sflag:s2] =	ssyncset.done $0x0  }
0x7b: {  	[sflag:s2] =	ssyncadd.s32 $0xFFFF8000  }
0x7c: {  	_ =	swait.ge [sflag:s2], $0x8000  }
0x7d: {  	[sflag:s2] =	ssyncset.done $0x0  }
0x7e: {  	[sflag:s2] =	ssyncadd.s32 $0xFFFF8000  }
0x7f: {  	_ =	swait.ge [sflag:s2], $0x8000  }
0x80: {  	[sflag:s2] =	ssyncset.done $0x0  }
0x81: {  	[sflag:s2] =	ssyncadd.s32 $0xFFFF8000  }
0x82: {  	_ =	swait.ge [sflag:s2], $0x8000  }
0x83: {  	[sflag:s2] =	ssyncset.done $0x0  }
0x84: {  	[sflag:s2] =	ssyncadd.s32 $0xFFFF8000  }
0x85: {  	_ =	swait.ge [sflag:s2], $0x8000  }
0x86: {  	[sflag:s2] =	ssyncset.done $0x0  }
0x87: {  	[sflag:s2] =	ssyncadd.s32 $0xFFFF8000  }
0x88: {  	_ =	swait.ge [sflag:s2], $0x8000  }
0x89: {  	[sflag:s2] =	ssyncset.done $0x0  }
0x8a: {  	[sflag:s2] =	ssyncadd.s32 $0xFFFF8000  }
0x8b: {  	_ =	swait.ge [sflag:s2], $0x8000  }
0x8c: {  	[sflag:s2] =	ssyncset.done $0x0  }
0x8d: {  	[sflag:s2] =	ssyncadd.s32 $0xFFFF8000  }
0x8e: {  	_ =	swait.ge [sflag:s2], $0x8000  }
0x8f: {  	[sflag:s2] =	ssyncset.done $0x0  }
0x90: {  	[sflag:s2] =	ssyncadd.s32 $0xFFFF8000  }
0x91: {  	_ =	swait.ge [sflag:s2], $0x8000  }
0x92: {  	[sflag:s2] =	ssyncset.done $0x0  }
0x93: {  	[sflag:s2] =	ssyncadd.s32 $0xFFFF8000  }
0x94: {  	_ =	swait.ge [sflag:s2], $0x8000  }
0x95: {  	[sflag:s2] =	ssyncset.done $0x0  }
0x96: {  	[sflag:s2] =	ssyncadd.s32 $0xFFFF8000  }
0x97: {  	_ =	swait.ge [sflag:s2], $0x8000  }
0x98: {  	[sflag:s2] =	ssyncset.done $0x0  }
0x99: {  	[sflag:s2] =	ssyncadd.s32 $0xFFFF8000  }
0x9a: {  	_ =	swait.ge [sflag:s2], $0x8000  }
0x9b: {  	[sflag:s2] =	ssyncset.done $0x0  }
0x9c: {  	[sflag:s2] =	ssyncadd.s32 $0xFFFF8000  }
0x9d: {  	_ =	swait.ge [sflag:s2], $0x8000  }
0x9e: {  	[sflag:s2] =	ssyncset.done $0x0  }
0x9f: {  	[sflag:s2] =	ssyncadd.s32 $0xFFFF8000  }
0xa0: {  	_ =	swait.ge [sflag:s2], $0x8000  }
0xa1: {  	[sflag:s2] =	ssyncset.done $0x0  }
0xa2: {  	[sflag:s2] =	ssyncadd.s32 $0xFFFF8000  }
0xa3: {  	_ =	swait.ge [sflag:s2], $0x8000  }
0xa4: {  	[sflag:s2] =	ssyncset.done $0x0  }
0xa5: {  	[sflag:s2] =	ssyncadd.s32 $0xFFFF8000  }
0xa6: {  	_ =	swait.ge [sflag:s2], $0x8000  }
0xa7: {  	[sflag:s2] =	ssyncset.done $0x0  }
0xa8: {  	[sflag:s2] =	ssyncadd.s32 $0xFFFF8000  }
0xa9: {  	_ =	swait.ge [sflag:s2], $0x8000  }
0xaa: {  	[sflag:s2] =	ssyncset.done $0x0  }
0xab: {  	[sflag:s2] =	ssyncadd.s32 $0xFFFF8000  }
0xac: {  	_ =	swait.ge [sflag:s2], $0x8000  }
0xad: {  	[sflag:s2] =	ssyncset.done $0x0  }
0xae: {  	[sflag:s2] =	ssyncadd.s32 $0xFFFF8000  }
0xaf: {  	_ =	swait.ge [sflag:s2], $0x8000  }
0xb0: {  	[sflag:s2] =	ssyncset.done $0x0  }
0xb1: {  	[sflag:s2] =	ssyncadd.s32 $0xFFFF8000  }
0xb2: {  	_ =	swait.ge [sflag:s2], $0x8000  }
0xb3: {  	[sflag:s2] =	ssyncset.done $0x0  }
0xb4: {  	[sflag:s2] =	ssyncadd.s32 $0xFFFF8000  }
0xb5: {  	_ =	swait.ge [sflag:s2], $0x8000  }
0xb6: {  	s1 =	rddreg [dreg:$0xa]  }
0xb7: {  	p1 =	sne.s32 s1, $0x1  }
.Ltmp1:
0xb8: {  	_ = 	snop;
	(pc) =	sbr.rel @!p1 .LBB2_3-.Ltmp1, $4  }
0xb9: {  	[sflag:s2] =	ssyncset.done $0x0  }
0xba: {  	[sflag:s2] =	ssyncadd.s32 $0xFFFF8000  }
0xbb: {  	p0 =	por $0x1, $0x1;
	_ =	swait.ge [sflag:s2], $0x8000  }
0xbc: {  	s1 =	sadd.s32 $0xFFFFFFFF, s1;
	s0 =	rddreg [dreg:$0x3];
	[sflag:s2] =	ssyncset.done $0x0  }
.LBB2_2:
0xbd: {  	[sflag:s2] =	ssyncadd.s32 $0xFFFF8000  }
0xbe: {  	[tilespmem:s3], [sflag:$0x2] =	stream.linear.gather [hbm4b:s0+s3], $0x8000, $0x38;
	[tilespmem:$0x8000] =	vst v63  }
0xbf: {  	_ =	swait.ge [sflag:s31], $0x8000  }
0xc0: {  	[sflag:s31] =	ssyncset.done $0x0  }
0xc1: {  	s0 =	rddreg [dreg:$0x4];
	[sflag:s31] =	ssyncadd.s32 $0xFFFF8000  }
0xc2: {  	[hbm4b:s4+s3] =	stream.linear.scatter [tilespmem:s3], [sflag:$0x1], $0x8000, $0x38;
	[tilespmem:$0x8000] =	vst v63  }
0xc3: {  	s31 =	smov.u32 s4;
	s4 =	smov.u32 s30;
	s30 =	smov.u32 s29  }
0xc4: {  	s29 =	smov.u32 s28;
	s28 =	smov.u32 s26;
	s26 =	smov.u32 s25  }
0xc5: {  	s25 =	smov.u32 s24;
	s24 =	smov.u32 s23;
	s23 =	smov.u32 s22  }
0xc6: {  	s22 =	smov.u32 s21;
	s21 =	smov.u32 s20;
	s20 =	smov.u32 s19  }
0xc7: {  	s19 =	smov.u32 s18;
	s18 =	smov.u32 s17;
	s17 =	smov.u32 s16  }
0xc8: {  	s16 =	smov.u32 s15;
	s15 =	smov.u32 s14;
	s14 =	smov.u32 s13  }
0xc9: {  	s13 =	smov.u32 s12;
	s12 =	smov.u32 s11;
	s11 =	smov.u32 s10  }
0xca: {  	s10 =	smov.u32 s9;
	s9 =	smov.u32 s8;
	s8 =	smov.u32 s7  }
0xcb: {  	[hbm4b:s0+s3] =	stream.linear.scatter [tilespmem:s3], [sflag:$0x1], $0x8000, $0x38;
	[tilespmem:$0x8000] =	vst v63  }
0xcc: {  	s7 =	smov.u32 s6;
	s6 =	smov.u32 s5;
	s5 =	rddreg [dreg:$0x5]  }
0xcd: {  	[hbm4b:s5+s3] =	stream.linear.scatter [tilespmem:s3], [sflag:$0x1], $0x8000, $0x38;
	[tilespmem:$0x8000] =	vst v63  }
0xce: {  	s0 =	rddreg [dreg:$0x6]  }
0xcf: {  	[hbm4b:s0+s3] =	stream.linear.scatter [tilespmem:s3], [sflag:$0x1], $0x8000, $0x38;
	[tilespmem:$0x8000] =	vst v63  }
0xd0: {  	s5 =	rddreg [dreg:$0x7]  }
0xd1: {  	[hbm4b:s5+s3] =	stream.linear.scatter [tilespmem:s3], [sflag:$0x1], $0x8000, $0x38;
	[tilespmem:$0x8000] =	vst v63  }
0xd2: {  	s0 =	rddreg [dreg:$0x8]  }
0xd3: {  	[hbm4b:s0+s3] =	stream.linear.scatter [tilespmem:s3], [sflag:$0x1], $0x8000, $0x38;
	[tilespmem:$0x8000] =	vst v63  }
0xd4: {  	s5 =	rddreg [dreg:$0x9]  }
0xd5: {  	[hbm4b:s5+s3] =	stream.linear.scatter [tilespmem:s3], [sflag:$0x1], $0x8000, $0x38;
	[tilespmem:$0x8000] =	vst v63  }
0xd6: {  	s5 =	smov.u32 s6  }
0xd7: {  	[hbm4b:s5+s3] =	stream.linear.scatter [tilespmem:s3], [sflag:$0x1], $0x8000, $0x38;
	[tilespmem:$0x8000] =	vst v63  }
0xd8: {  	s6 =	smov.u32 s7  }
0xd9: {  	[hbm4b:s6+s3] =	stream.linear.scatter [tilespmem:s3], [sflag:$0x1], $0x8000, $0x38;
	[tilespmem:$0x8000] =	vst v63  }
0xda: {  	s7 =	smov.u32 s8  }
0xdb: {  	[hbm4b:s7+s3] =	stream.linear.scatter [tilespmem:s3], [sflag:$0x1], $0x8000, $0x38;
	[tilespmem:$0x8000] =	vst v63  }
0xdc: {  	s8 =	smov.u32 s9  }
0xdd: {  	[hbm4b:s8+s3] =	stream.linear.scatter [tilespmem:s3], [sflag:$0x1], $0x8000, $0x38;
	[tilespmem:$0x8000] =	vst v63  }
0xde: {  	s9 =	smov.u32 s10  }
0xdf: {  	[hbm4b:s9+s3] =	stream.linear.scatter [tilespmem:s3], [sflag:$0x1], $0x8000, $0x38;
	[tilespmem:$0x8000] =	vst v63  }
0xe0: {  	s10 =	smov.u32 s11  }
0xe1: {  	[hbm4b:s10+s3] =	stream.linear.scatter [tilespmem:s3], [sflag:$0x1], $0x8000, $0x38;
	[tilespmem:$0x8000] =	vst v63  }
0xe2: {  	s11 =	smov.u32 s12  }
0xe3: {  	[hbm4b:s11+s3] =	stream.linear.scatter [tilespmem:s3], [sflag:$0x1], $0x8000, $0x38;
	[tilespmem:$0x8000] =	vst v63  }
0xe4: {  	s12 =	smov.u32 s13  }
0xe5: {  	[hbm4b:s12+s3] =	stream.linear.scatter [tilespmem:s3], [sflag:$0x1], $0x8000, $0x38;
	[tilespmem:$0x8000] =	vst v63  }
0xe6: {  	s13 =	smov.u32 s14  }
0xe7: {  	[hbm4b:s13+s3] =	stream.linear.scatter [tilespmem:s3], [sflag:$0x1], $0x8000, $0x38;
	[tilespmem:$0x8000] =	vst v63  }
0xe8: {  	s14 =	smov.u32 s15  }
0xe9: {  	[hbm4b:s14+s3] =	stream.linear.scatter [tilespmem:s3], [sflag:$0x1], $0x8000, $0x38;
	[tilespmem:$0x8000] =	vst v63  }
0xea: {  	s15 =	smov.u32 s16  }
0xeb: {  	[hbm4b:s15+s3] =	stream.linear.scatter [tilespmem:s3], [sflag:$0x1], $0x8000, $0x38;
	[tilespmem:$0x8000] =	vst v63  }
0xec: {  	s16 =	smov.u32 s17  }
0xed: {  	[hbm4b:s16+s3] =	stream.linear.scatter [tilespmem:s3], [sflag:$0x1], $0x8000, $0x38;
	[tilespmem:$0x8000] =	vst v63  }
0xee: {  	s17 =	smov.u32 s18  }
0xef: {  	[hbm4b:s17+s3] =	stream.linear.scatter [tilespmem:s3], [sflag:$0x1], $0x8000, $0x38;
	[tilespmem:$0x8000] =	vst v63  }
0xf0: {  	s18 =	smov.u32 s19  }
0xf1: {  	[hbm4b:s18+s3] =	stream.linear.scatter [tilespmem:s3], [sflag:$0x1], $0x8000, $0x38;
	[tilespmem:$0x8000] =	vst v63  }
0xf2: {  	s19 =	smov.u32 s20  }
0xf3: {  	[hbm4b:s19+s3] =	stream.linear.scatter [tilespmem:s3], [sflag:$0x1], $0x8000, $0x38;
	[tilespmem:$0x8000] =	vst v63  }
0xf4: {  	s20 =	smov.u32 s21  }
0xf5: {  	[hbm4b:s20+s3] =	stream.linear.scatter [tilespmem:s3], [sflag:$0x1], $0x8000, $0x38;
	[tilespmem:$0x8000] =	vst v63  }
0xf6: {  	s21 =	smov.u32 s22  }
0xf7: {  	[hbm4b:s21+s3] =	stream.linear.scatter [tilespmem:s3], [sflag:$0x1], $0x8000, $0x38;
	[tilespmem:$0x8000] =	vst v63  }
0xf8: {  	s22 =	smov.u32 s23  }
0xf9: {  	[hbm4b:s22+s3] =	stream.linear.scatter [tilespmem:s3], [sflag:$0x1], $0x8000, $0x38;
	[tilespmem:$0x8000] =	vst v63  }
0xfa: {  	s23 =	smov.u32 s24  }
0xfb: {  	[hbm4b:s23+s3] =	stream.linear.scatter [tilespmem:s3], [sflag:$0x1], $0x8000, $0x38;
	[tilespmem:$0x8000] =	vst v63  }
0xfc: {  	s24 =	smov.u32 s25  }
0xfd: {  	[hbm4b:s24+s3] =	stream.linear.scatter [tilespmem:s3], [sflag:$0x1], $0x8000, $0x38;
	[tilespmem:$0x8000] =	vst v63  }
0xfe: {  	s25 =	smov.u32 s26  }
0xff: {  	[hbm4b:s25+s3] =	stream.linear.scatter [tilespmem:s3], [sflag:$0x1], $0x8000, $0x38;
	[tilespmem:$0x8000] =	vst v63  }
0x100: {  	s26 =	smov.u32 s28  }
0x101: {  	[hbm4b:s26+s3] =	stream.linear.scatter [tilespmem:s3], [sflag:$0x1], $0x8000, $0x38;
	[tilespmem:$0x8000] =	vst v63  }
0x102: {  	s28 =	smov.u32 s29  }
0x103: {  	[hbm4b:s28+s3] =	stream.linear.scatter [tilespmem:s3], [sflag:$0x1], $0x8000, $0x38;
	[tilespmem:$0x8000] =	vst v63  }
0x104: {  	s29 =	smov.u32 s30  }
0x105: {  	[hbm4b:s29+s3] =	stream.linear.scatter [tilespmem:s3], [sflag:$0x1], $0x8000, $0x38;
	[tilespmem:$0x8000] =	vst v63  }
0x106: {  	s30 =	smov.u32 s4  }
0x107: {  	[hbm4b:s30+s3] =	stream.linear.scatter [tilespmem:s3], [sflag:$0x1], $0x8000, $0x38;
	[tilespmem:$0x8000] =	vst v63  }
0x108: {  	_ =	swait.ge [sflag:s2], $0x8000  }
0x109: {  	[sflag:s2] =	ssyncset.done $0x0  }
0x10a: {  	[sflag:s2] =	ssyncadd.s32 $0xFFFF8000  }
0x10b: {  	_ =	swait.ge [sflag:s2], $0x8000  }
0x10c: {  	[sflag:s2] =	ssyncset.done $0x0  }
0x10d: {  	[sflag:s2] =	ssyncadd.s32 $0xFFFF8000  }
0x10e: {  	_ =	swait.ge [sflag:s2], $0x8000  }
0x10f: {  	[sflag:s2] =	ssyncset.done $0x0  }
0x110: {  	[sflag:s2] =	ssyncadd.s32 $0xFFFF8000  }
0x111: {  	_ =	swait.ge [sflag:s2], $0x8000  }
0x112: {  	[sflag:s2] =	ssyncset.done $0x0  }
0x113: {  	[sflag:s2] =	ssyncadd.s32 $0xFFFF8000  }
0x114: {  	_ =	swait.ge [sflag:s2], $0x8000  }
0x115: {  	[sflag:s2] =	ssyncset.done $0x0  }
0x116: {  	[sflag:s2] =	ssyncadd.s32 $0xFFFF8000  }
0x117: {  	_ =	swait.ge [sflag:s2], $0x8000  }
0x118: {  	[sflag:s2] =	ssyncset.done $0x0  }
0x119: {  	[sflag:s2] =	ssyncadd.s32 $0xFFFF8000  }
0x11a: {  	_ =	swait.ge [sflag:s2], $0x8000  }
0x11b: {  	[sflag:s2] =	ssyncset.done $0x0  }
0x11c: {  	[sflag:s2] =	ssyncadd.s32 $0xFFFF8000  }
0x11d: {  	_ =	swait.ge [sflag:s2], $0x8000  }
0x11e: {  	[sflag:s2] =	ssyncset.done $0x0  }
0x11f: {  	[sflag:s2] =	ssyncadd.s32 $0xFFFF8000  }
0x120: {  	_ =	swait.ge [sflag:s2], $0x8000  }
0x121: {  	[sflag:s2] =	ssyncset.done $0x0  }
0x122: {  	[sflag:s2] =	ssyncadd.s32 $0xFFFF8000  }
0x123: {  	_ =	swait.ge [sflag:s2], $0x8000  }
0x124: {  	[sflag:s2] =	ssyncset.done $0x0  }
0x125: {  	[sflag:s2] =	ssyncadd.s32 $0xFFFF8000  }
0x126: {  	_ =	swait.ge [sflag:s2], $0x8000  }
0x127: {  	[sflag:s2] =	ssyncset.done $0x0  }
0x128: {  	[sflag:s2] =	ssyncadd.s32 $0xFFFF8000  }
0x129: {  	_ =	swait.ge [sflag:s2], $0x8000  }
0x12a: {  	[sflag:s2] =	ssyncset.done $0x0  }
0x12b: {  	[sflag:s2] =	ssyncadd.s32 $0xFFFF8000  }
0x12c: {  	_ =	swait.ge [sflag:s2], $0x8000  }
0x12d: {  	[sflag:s2] =	ssyncset.done $0x0  }
0x12e: {  	[sflag:s2] =	ssyncadd.s32 $0xFFFF8000  }
0x12f: {  	_ =	swait.ge [sflag:s2], $0x8000  }
0x130: {  	[sflag:s2] =	ssyncset.done $0x0  }
0x131: {  	[sflag:s2] =	ssyncadd.s32 $0xFFFF8000  }
0x132: {  	_ =	swait.ge [sflag:s2], $0x8000  }
0x133: {  	[sflag:s2] =	ssyncset.done $0x0  }
0x134: {  	[sflag:s2] =	ssyncadd.s32 $0xFFFF8000  }
0x135: {  	_ =	swait.ge [sflag:s2], $0x8000  }
0x136: {  	[sflag:s2] =	ssyncset.done $0x0  }
0x137: {  	[sflag:s2] =	ssyncadd.s32 $0xFFFF8000  }
0x138: {  	_ =	swait.ge [sflag:s2], $0x8000  }
0x139: {  	[sflag:s2] =	ssyncset.done $0x0  }
0x13a: {  	[sflag:s2] =	ssyncadd.s32 $0xFFFF8000  }
0x13b: {  	_ =	swait.ge [sflag:s2], $0x8000  }
0x13c: {  	[sflag:s2] =	ssyncset.done $0x0  }
0x13d: {  	[sflag:s2] =	ssyncadd.s32 $0xFFFF8000  }
0x13e: {  	_ =	swait.ge [sflag:s2], $0x8000  }
0x13f: {  	[sflag:s2] =	ssyncset.done $0x0  }
0x140: {  	[sflag:s2] =	ssyncadd.s32 $0xFFFF8000  }
0x141: {  	_ =	swait.ge [sflag:s2], $0x8000  }
0x142: {  	[sflag:s2] =	ssyncset.done $0x0  }
0x143: {  	[sflag:s2] =	ssyncadd.s32 $0xFFFF8000  }
0x144: {  	_ =	swait.ge [sflag:s2], $0x8000  }
0x145: {  	[sflag:s2] =	ssyncset.done $0x0  }
0x146: {  	[sflag:s2] =	ssyncadd.s32 $0xFFFF8000  }
0x147: {  	_ =	swait.ge [sflag:s2], $0x8000  }
0x148: {  	[sflag:s2] =	ssyncset.done $0x0  }
0x149: {  	[sflag:s2] =	ssyncadd.s32 $0xFFFF8000  }
0x14a: {  	_ =	swait.ge [sflag:s2], $0x8000  }
0x14b: {  	[sflag:s2] =	ssyncset.done $0x0  }
0x14c: {  	[sflag:s2] =	ssyncadd.s32 $0xFFFF8000  }
0x14d: {  	_ =	swait.ge [sflag:s2], $0x8000  }
0x14e: {  	[sflag:s2] =	ssyncset.done $0x0  }
0x14f: {  	[sflag:s2] =	ssyncadd.s32 $0xFFFF8000  }
0x150: {  	_ =	swait.ge [sflag:s2], $0x8000  }
0x151: {  	[sflag:s2] =	ssyncset.done $0x0  }
0x152: {  	[sflag:s2] =	ssyncadd.s32 $0xFFFF8000  }
0x153: {  	_ =	swait.ge [sflag:s2], $0x8000  }
0x154: {  	[sflag:s2] =	ssyncset.done $0x0  }
0x155: {  	[sflag:s2] =	ssyncadd.s32 $0xFFFF8000  }
0x156: {  	_ =	swait.ge [sflag:s2], $0x8000  }
0x157: {  	[sflag:s2] =	ssyncset.done $0x0  }
0x158: {  	[sflag:s2] =	ssyncadd.s32 $0xFFFF8000  }
0x159: {  	_ =	swait.ge [sflag:s2], $0x8000  }
0x15a: {  	[sflag:s2] =	ssyncset.done $0x0  }
0x15b: {  	[sflag:s2] =	ssyncadd.s32 $0xFFFF8000  }
0x15c: {  	_ =	swait.ge [sflag:s2], $0x8000  }
0x15d: {  	[sflag:s2] =	ssyncset.done $0x0  }
0x15e: {  	[sflag:s2] =	ssyncadd.s32 $0xFFFF8000  }
0x15f: {  	_ =	swait.ge [sflag:s2], $0x8000  }
0x160: {  	[sflag:s2] =	ssyncset.done $0x0  }
0x161: {  	p1 =	sne.s32 s1, $0x1;
	[sflag:s2] =	ssyncadd.s32 $0xFFFF8000  }
.Ltmp2:
0x162: {  	_ =	swait.ge [sflag:s2], $0x8000;
	(pc) =	sbr.rel @p1 .LBB2_2-.Ltmp2, $4  }
0x163: {  	[sflag:s2] =	ssyncset.done $0x0  }
0x164: {  	[sflag:s2] =	ssyncadd.s32 $0xFFFF8000  }
0x165: {  	s1 =	sadd.s32 $0xFFFFFFFF, s1;
	s4 =	smov.u32 s31;
	_ =	swait.ge [sflag:s2], $0x8000  }
0x166: {  	s31 =	simm.s32 $0x2;
	s0 =	rddreg [dreg:$0x3];
	[sflag:s2] =	ssyncset.done $0x0  }
.LBB2_3:
0x167: {  	[sflag:s2] =	ssyncadd.s32 @p0 $0xFFFF8000  }
0x168: {  	[tilespmem:s3], [sflag:$0x2] =	stream.linear.gather [hbm4b:s0+s3], $0x8000, $0x38;
	[tilespmem:$0x8000] =	vst v63  }
0x169: {  	_ =	swait.ge [sflag:s31], $0x8000  }
0x16a: {  	[sflag:s31] =	ssyncset.done $0x0  }
0x16b: {  	[sflag:s31] =	ssyncadd.s32 $0xFFFF8000  }
0x16c: {  	[hbm4b:s4+s3] =	stream.linear.scatter [tilespmem:s3], [sflag:$0x1], $0x8000, $0x38;
	[tilespmem:$0x8000] =	vst v63  }
0x16d: {  	s31 =	rddreg [dreg:$0x4]  }
0x16e: {  	[hbm4b:s31+s3] =	stream.linear.scatter [tilespmem:s3], [sflag:$0x1], $0x8000, $0x38;
	[tilespmem:$0x8000] =	vst v63  }
0x16f: {  	s1 =	rddreg [dreg:$0x5]  }
0x170: {  	[hbm4b:s1+s3] =	stream.linear.scatter [tilespmem:s3], [sflag:$0x1], $0x8000, $0x38;
	[tilespmem:$0x8000] =	vst v63  }
0x171: {  	s31 =	rddreg [dreg:$0x6]  }
0x172: {  	[hbm4b:s31+s3] =	stream.linear.scatter [tilespmem:s3], [sflag:$0x1], $0x8000, $0x38;
	[tilespmem:$0x8000] =	vst v63  }
0x173: {  	s4 =	rddreg [dreg:$0x7]  }
0x174: {  	[hbm4b:s4+s3] =	stream.linear.scatter [tilespmem:s3], [sflag:$0x1], $0x8000, $0x38;
	[tilespmem:$0x8000] =	vst v63  }
0x175: {  	s31 =	rddreg [dreg:$0x8]  }
0x176: {  	[hbm4b:s31+s3] =	stream.linear.scatter [tilespmem:s3], [sflag:$0x1], $0x8000, $0x38;
	[tilespmem:$0x8000] =	vst v63  }
0x177: {  	s4 =	rddreg [dreg:$0x9]  }
0x178: {  	[hbm4b:s4+s3] =	stream.linear.scatter [tilespmem:s3], [sflag:$0x1], $0x8000, $0x38;
	[tilespmem:$0x8000] =	vst v63  }
0x179: {  	_ = 	snop  }
0x17a: {  	[hbm4b:s5+s3] =	stream.linear.scatter [tilespmem:s3], [sflag:$0x1], $0x8000, $0x38;
	[tilespmem:$0x8000] =	vst v63  }
0x17b: {  	_ = 	snop  }
0x17c: {  	[hbm4b:s6+s3] =	stream.linear.scatter [tilespmem:s3], [sflag:$0x1], $0x8000, $0x38;
	[tilespmem:$0x8000] =	vst v63  }
0x17d: {  	_ = 	snop  }
0x17e: {  	[hbm4b:s7+s3] =	stream.linear.scatter [tilespmem:s3], [sflag:$0x1], $0x8000, $0x38;
	[tilespmem:$0x8000] =	vst v63  }
0x17f: {  	_ = 	snop  }
0x180: {  	[hbm4b:s8+s3] =	stream.linear.scatter [tilespmem:s3], [sflag:$0x1], $0x8000, $0x38;
	[tilespmem:$0x8000] =	vst v63  }
0x181: {  	_ = 	snop  }
0x182: {  	[hbm4b:s9+s3] =	stream.linear.scatter [tilespmem:s3], [sflag:$0x1], $0x8000, $0x38;
	[tilespmem:$0x8000] =	vst v63  }
0x183: {  	_ = 	snop  }
0x184: {  	[hbm4b:s10+s3] =	stream.linear.scatter [tilespmem:s3], [sflag:$0x1], $0x8000, $0x38;
	[tilespmem:$0x8000] =	vst v63  }
0x185: {  	_ = 	snop  }
0x186: {  	[hbm4b:s11+s3] =	stream.linear.scatter [tilespmem:s3], [sflag:$0x1], $0x8000, $0x38;
	[tilespmem:$0x8000] =	vst v63  }
0x187: {  	_ = 	snop  }
0x188: {  	[hbm4b:s12+s3] =	stream.linear.scatter [tilespmem:s3], [sflag:$0x1], $0x8000, $0x38;
	[tilespmem:$0x8000] =	vst v63  }
0x189: {  	_ = 	snop  }
0x18a: {  	[hbm4b:s13+s3] =	stream.linear.scatter [tilespmem:s3], [sflag:$0x1], $0x8000, $0x38;
	[tilespmem:$0x8000] =	vst v63  }
0x18b: {  	_ = 	snop  }
0x18c: {  	[hbm4b:s14+s3] =	stream.linear.scatter [tilespmem:s3], [sflag:$0x1], $0x8000, $0x38;
	[tilespmem:$0x8000] =	vst v63  }
0x18d: {  	_ = 	snop  }
0x18e: {  	[hbm4b:s15+s3] =	stream.linear.scatter [tilespmem:s3], [sflag:$0x1], $0x8000, $0x38;
	[tilespmem:$0x8000] =	vst v63  }
0x18f: {  	_ = 	snop  }
0x190: {  	[hbm4b:s16+s3] =	stream.linear.scatter [tilespmem:s3], [sflag:$0x1], $0x8000, $0x38;
	[tilespmem:$0x8000] =	vst v63  }
0x191: {  	_ = 	snop  }
0x192: {  	[hbm4b:s17+s3] =	stream.linear.scatter [tilespmem:s3], [sflag:$0x1], $0x8000, $0x38;
	[tilespmem:$0x8000] =	vst v63  }
0x193: {  	_ = 	snop  }
0x194: {  	[hbm4b:s18+s3] =	stream.linear.scatter [tilespmem:s3], [sflag:$0x1], $0x8000, $0x38;
	[tilespmem:$0x8000] =	vst v63  }
0x195: {  	_ = 	snop  }
0x196: {  	[hbm4b:s19+s3] =	stream.linear.scatter [tilespmem:s3], [sflag:$0x1], $0x8000, $0x38;
	[tilespmem:$0x8000] =	vst v63  }
0x197: {  	_ = 	snop  }
0x198: {  	[hbm4b:s20+s3] =	stream.linear.scatter [tilespmem:s3], [sflag:$0x1], $0x8000, $0x38;
	[tilespmem:$0x8000] =	vst v63  }
0x199: {  	_ = 	snop  }
0x19a: {  	[hbm4b:s21+s3] =	stream.linear.scatter [tilespmem:s3], [sflag:$0x1], $0x8000, $0x38;
	[tilespmem:$0x8000] =	vst v63  }
0x19b: {  	_ = 	snop  }
0x19c: {  	[hbm4b:s22+s3] =	stream.linear.scatter [tilespmem:s3], [sflag:$0x1], $0x8000, $0x38;
	[tilespmem:$0x8000] =	vst v63  }
0x19d: {  	_ = 	snop  }
0x19e: {  	[hbm4b:s23+s3] =	stream.linear.scatter [tilespmem:s3], [sflag:$0x1], $0x8000, $0x38;
	[tilespmem:$0x8000] =	vst v63  }
0x19f: {  	_ = 	snop  }
0x1a0: {  	[hbm4b:s24+s3] =	stream.linear.scatter [tilespmem:s3], [sflag:$0x1], $0x8000, $0x38;
	[tilespmem:$0x8000] =	vst v63  }
0x1a1: {  	_ = 	snop  }
0x1a2: {  	[hbm4b:s25+s3] =	stream.linear.scatter [tilespmem:s3], [sflag:$0x1], $0x8000, $0x38;
	[tilespmem:$0x8000] =	vst v63  }
0x1a3: {  	_ = 	snop  }
0x1a4: {  	[hbm4b:s26+s3] =	stream.linear.scatter [tilespmem:s3], [sflag:$0x1], $0x8000, $0x38;
	[tilespmem:$0x8000] =	vst v63  }
0x1a5: {  	_ = 	snop  }
0x1a6: {  	[hbm4b:s28+s3] =	stream.linear.scatter [tilespmem:s3], [sflag:$0x1], $0x8000, $0x38;
	[tilespmem:$0x8000] =	vst v63  }
0x1a7: {  	_ = 	snop  }
0x1a8: {  	[hbm4b:s29+s3] =	stream.linear.scatter [tilespmem:s3], [sflag:$0x1], $0x8000, $0x38;
	[tilespmem:$0x8000] =	vst v63  }
0x1a9: {  	_ = 	snop  }
0x1aa: {  	[hbm4b:s30+s3] =	stream.linear.scatter [tilespmem:s3], [sflag:$0x1], $0x8000, $0x38;
	[tilespmem:$0x8000] =	vst v63  }
0x1ab: {  	_ =	swait.ge [sflag:s2], $0x8000  }
0x1ac: {  	[sflag:s2] =	ssyncset.done $0x0  }
0x1ad: {  	[sflag:s2] =	ssyncadd.s32 $0xFFFF8000  }
0x1ae: {  	_ =	swait.ge [sflag:s2], $0x8000  }
0x1af: {  	[sflag:s2] =	ssyncset.done $0x0  }
0x1b0: {  	[sflag:s2] =	ssyncadd.s32 $0xFFFF8000  }
0x1b1: {  	_ =	swait.ge [sflag:s2], $0x8000  }
0x1b2: {  	[sflag:s2] =	ssyncset.done $0x0  }
0x1b3: {  	[sflag:s2] =	ssyncadd.s32 $0xFFFF8000  }
0x1b4: {  	_ =	swait.ge [sflag:s2], $0x8000  }
0x1b5: {  	[sflag:s2] =	ssyncset.done $0x0  }
0x1b6: {  	[sflag:s2] =	ssyncadd.s32 $0xFFFF8000  }
0x1b7: {  	_ =	swait.ge [sflag:s2], $0x8000  }
0x1b8: {  	[sflag:s2] =	ssyncset.done $0x0  }
0x1b9: {  	[sflag:s2] =	ssyncadd.s32 $0xFFFF8000  }
0x1ba: {  	_ =	swait.ge [sflag:s2], $0x8000  }
0x1bb: {  	[sflag:s2] =	ssyncset.done $0x0  }
0x1bc: {  	[sflag:s2] =	ssyncadd.s32 $0xFFFF8000  }
0x1bd: {  	_ =	swait.ge [sflag:s2], $0x8000  }
0x1be: {  	[sflag:s2] =	ssyncset.done $0x0  }
0x1bf: {  	[sflag:s2] =	ssyncadd.s32 $0xFFFF8000  }
0x1c0: {  	_ =	swait.ge [sflag:s2], $0x8000  }
0x1c1: {  	[sflag:s2] =	ssyncset.done $0x0  }
0x1c2: {  	[sflag:s2] =	ssyncadd.s32 $0xFFFF8000  }
0x1c3: {  	_ =	swait.ge [sflag:s2], $0x8000  }
0x1c4: {  	[sflag:s2] =	ssyncset.done $0x0  }
0x1c5: {  	[sflag:s2] =	ssyncadd.s32 $0xFFFF8000  }
0x1c6: {  	_ =	swait.ge [sflag:s2], $0x8000  }
0x1c7: {  	[sflag:s2] =	ssyncset.done $0x0  }
0x1c8: {  	[sflag:s2] =	ssyncadd.s32 $0xFFFF8000  }
0x1c9: {  	_ =	swait.ge [sflag:s2], $0x8000  }
0x1ca: {  	[sflag:s2] =	ssyncset.done $0x0  }
0x1cb: {  	[sflag:s2] =	ssyncadd.s32 $0xFFFF8000  }
0x1cc: {  	_ =	swait.ge [sflag:s2], $0x8000  }
0x1cd: {  	[sflag:s2] =	ssyncset.done $0x0  }
0x1ce: {  	[sflag:s2] =	ssyncadd.s32 $0xFFFF8000  }
0x1cf: {  	_ =	swait.ge [sflag:s2], $0x8000  }
0x1d0: {  	[sflag:s2] =	ssyncset.done $0x0  }
0x1d1: {  	[sflag:s2] =	ssyncadd.s32 $0xFFFF8000  }
0x1d2: {  	_ =	swait.ge [sflag:s2], $0x8000  }
0x1d3: {  	[sflag:s2] =	ssyncset.done $0x0  }
0x1d4: {  	[sflag:s2] =	ssyncadd.s32 $0xFFFF8000  }
0x1d5: {  	_ =	swait.ge [sflag:s2], $0x8000  }
0x1d6: {  	[sflag:s2] =	ssyncset.done $0x0  }
0x1d7: {  	[sflag:s2] =	ssyncadd.s32 $0xFFFF8000  }
0x1d8: {  	_ =	swait.ge [sflag:s2], $0x8000  }
0x1d9: {  	[sflag:s2] =	ssyncset.done $0x0  }
0x1da: {  	[sflag:s2] =	ssyncadd.s32 $0xFFFF8000  }
0x1db: {  	_ =	swait.ge [sflag:s2], $0x8000  }
0x1dc: {  	[sflag:s2] =	ssyncset.done $0x0  }
0x1dd: {  	[sflag:s2] =	ssyncadd.s32 $0xFFFF8000  }
0x1de: {  	_ =	swait.ge [sflag:s2], $0x8000  }
0x1df: {  	[sflag:s2] =	ssyncset.done $0x0  }
0x1e0: {  	[sflag:s2] =	ssyncadd.s32 $0xFFFF8000  }
0x1e1: {  	_ =	swait.ge [sflag:s2], $0x8000  }
0x1e2: {  	[sflag:s2] =	ssyncset.done $0x0  }
0x1e3: {  	[sflag:s2] =	ssyncadd.s32 $0xFFFF8000  }
0x1e4: {  	_ =	swait.ge [sflag:s2], $0x8000  }
0x1e5: {  	[sflag:s2] =	ssyncset.done $0x0  }
0x1e6: {  	[sflag:s2] =	ssyncadd.s32 $0xFFFF8000  }
0x1e7: {  	_ =	swait.ge [sflag:s2], $0x8000  }
0x1e8: {  	[sflag:s2] =	ssyncset.done $0x0  }
0x1e9: {  	[sflag:s2] =	ssyncadd.s32 $0xFFFF8000  }
0x1ea: {  	_ =	swait.ge [sflag:s2], $0x8000  }
0x1eb: {  	[sflag:s2] =	ssyncset.done $0x0  }
0x1ec: {  	[sflag:s2] =	ssyncadd.s32 $0xFFFF8000  }
0x1ed: {  	_ =	swait.ge [sflag:s2], $0x8000  }
0x1ee: {  	[sflag:s2] =	ssyncset.done $0x0  }
0x1ef: {  	[sflag:s2] =	ssyncadd.s32 $0xFFFF8000  }
0x1f0: {  	_ =	swait.ge [sflag:s2], $0x8000  }
0x1f1: {  	[sflag:s2] =	ssyncset.done $0x0  }
0x1f2: {  	[sflag:s2] =	ssyncadd.s32 $0xFFFF8000  }
0x1f3: {  	_ =	swait.ge [sflag:s2], $0x8000  }
0x1f4: {  	[sflag:s2] =	ssyncset.done $0x0  }
0x1f5: {  	[sflag:s2] =	ssyncadd.s32 $0xFFFF8000  }
0x1f6: {  	_ =	swait.ge [sflag:s2], $0x8000  }
0x1f7: {  	[sflag:s2] =	ssyncset.done $0x0  }
0x1f8: {  	[sflag:s2] =	ssyncadd.s32 $0xFFFF8000  }
0x1f9: {  	_ =	swait.ge [sflag:s2], $0x8000  }
0x1fa: {  	[sflag:s2] =	ssyncset.done $0x0  }
0x1fb: {  	[sflag:s2] =	ssyncadd.s32 $0xFFFF8000  }
0x1fc: {  	_ =	swait.ge [sflag:s2], $0x8000  }
0x1fd: {  	[sflag:s2] =	ssyncset.done $0x0  }
0x1fe: {  	[sflag:s2] =	ssyncadd.s32 $0xFFFF8000  }
0x1ff: {  	_ =	swait.ge [sflag:s2], $0x8000  }
0x200: {  	[sflag:s2] =	ssyncset.done $0x0  }
0x201: {  	[sflag:s2] =	ssyncadd.s32 $0xFFFF8000  }
0x202: {  	_ =	swait.ge [sflag:s2], $0x8000  }
0x203: {  	[sflag:s2] =	ssyncset.done $0x0  }
0x204: {  	[sflag:s2] =	ssyncadd.s32 $0xFFFF8000  }
0x205: {  	_ =	swait.ge [sflag:s2], $0x8000  }
0x206: {  	[sflag:s2] =	ssyncset.done $0x0  }
0x207: {  	[sflag:s2] =	ssyncadd.s32 $0xFFFF8000  }
0x208: {  	_ =	swait.ge [sflag:s2], $0x8000  }
0x209: {  	[sflag:s2] =	ssyncset.done $0x0  }
0x20a: {  	[sflag:s2] =	ssyncadd.s32 $0xFFFF8000  }
0x20b: {  	_ =	sfence.sel $0x180000  }
0x20c: {  	[bflag:$0x0] =	sbarrier.arrive $0xFFFF  }
0x20d: {  	_ =	strace $0x90000047  }
0x20e: {  	s31 =	stileid.u32;
	[bflag:$0x2] =	sbarrier.arrive $0xFFFF  }
0x20f: {  	p0 =	sne.s32 s31, $0x0;
	s0 =	rddreg [dreg:$0x2]  }
0x210: {  	s0 =	sadd.s32 @!p0 $0x100000, s0  }
0x211: {  	[sflag:s0] =	ssyncadd.tile.s32 @!p0 $0x1;
	_ =	shalt  }
.Lfunc_end2:
_tile_overlayer_lowered:
.L_overlay_start_2:
0x212: {  	(tag) =	ssettag $0x2  }
0x213: {  	s0 =	rddreg [dreg:$0x0];
	s2 =	stileid.u32  }
0x214: {  	s1 =	rddreg [dreg:$0x1];
	p0 =	sne.s32 s2, $0x0  }
0x215: {  	s3 =	rddreg [dreg:$0x2];
	[bflag:$0x3] =	sbarrier.arrive $0xFFFF;
	s2 =	simm.s32 @!p0 $0x1C02  }
0x216: {  	[timem:s3], [sflag:s2] =	dma.local @!p0 [hbm:s0], s1  }
0x217: {  	s0 =	simm.s32 @!p0 $0x2  }
0x218: {  	_ =	swait.ge @!p0 [sflag:s0], s1  }
0x219: {  	s1 =	ssub.s32 @!p0 $0x0, s1;
	[sflag:s0] =	ssyncset.done @!p0 $0x0  }
0x21a: {  	[sflag:s0] =	ssyncadd.s32 @!p0 s1  }
0x21b: {  	[bflag:$0x3] =	sbarrier.arrive $0xFFFF  }
0x21c: {  	_ =	shalt  }

</sc_bundles>
